<compile_context>
chip_gen: v7x
topology: tpu7x:2x2x1
jax: 0.10.2.dev20260603
libtpu: 0.0.44.dev20260713+nightly
codegen_flags: <defaults>
</compile_context>

<pallas_src>
import functools

import jax
import jax.numpy as jnp
from jax import lax
from jax.experimental import pallas as pl
from jax.experimental.pallas import tpu as pltpu
from jax.experimental.pallas import tpu_sc as plsc

EMBED = 64
SCALE = 8.0
VOCAB = 1000000

NC = 2
NS = 16
NW = NC * NS

ROWS = 4096
COLS = 200
TBLK = ROWS // NW

RB = 2048


def _retile_body(tt_ref, out_ref):
    xt = tt_ref[...].T
    out_ref[...] = jnp.pad(xt, ((0, 0), (0, EMBED)))


_retile_call = pl.pallas_call(
    _retile_body,
    grid=(pl.cdiv(VOCAB, RB),),
    in_specs=[pl.BlockSpec((EMBED, RB), lambda i: (0, i))],
    out_specs=pl.BlockSpec((RB, 2 * EMBED), lambda i: (i, 0)),
    out_shape=jax.ShapeDtypeStruct((VOCAB, 2 * EMBED), jnp.float32),
)


def _retile(table):
    return _retile_call(table.T)


@functools.partial(
    pl.kernel,
    mesh=plsc.VectorSubcoreMesh(core_axis_name="c", subcore_axis_name="s"),
    out_type=jax.ShapeDtypeStruct((COLS, 8, NW, 8, TBLK), jnp.float32),
    scratch_types=[
        pltpu.VMEM((COLS, TBLK), jnp.int32),
        pltpu.VMEM((TBLK, 2 * EMBED), jnp.float32),
        pltpu.VMEM((TBLK, 2 * EMBED), jnp.float32),
        pltpu.VMEM((8, 8, TBLK + 1), jnp.float32),
        pltpu.VMEM((8, 8, TBLK + 1), jnp.float32),
        pltpu.SemaphoreType.DMA,
        pltpu.SemaphoreType.DMA,
        pltpu.SemaphoreType.DMA,
    ],
    compiler_params=pltpu.CompilerParams(
        use_tc_tiling_on_sc=False, needs_layout_passes=False),
)
def _embed_gather(idxt_hbm, table_hbm, out_hbm, idxt_v, rows0_v, rows1_v,
                  t0_v, t1_v, sem0, sem1, osem):
    wid = lax.axis_index("s") * NC + lax.axis_index("c")

    pltpu.sync_copy(idxt_hbm.at[:, pl.ds(wid * TBLK, TBLK)], idxt_v)

    def issue(j, buf, sem):
        pltpu.async_copy(table_hbm.at[idxt_v.at[j]], buf, sem)

    def drain(buf, sem):
        pltpu.make_async_copy(table_hbm.at[idxt_v.at[0]], buf, sem).wait()

    iota = lax.iota(jnp.int32, 16)
    icl = jnp.bitwise_and(iota, 7)
    ic8_base = jnp.right_shift(iota, 3)
    igrp_c8 = [ic8_base + 2 * k for k in range(EMBED // 16)]
    igrp_cl = [icl for _ in range(EMBED // 16)]

    def transform(rows_v, t_v):
        def row_body(tt, _):
            tv = jnp.full((16,), 0, jnp.int32) + tt
            for k in range(EMBED // 16):
                v = rows_v[tt, pl.ds(k * 16, 16)]
                plsc.store_scatter(
                    t_v, [igrp_c8[k], igrp_cl[k], tv], v * SCALE)
            return 0
        lax.fori_loop(0, TBLK, row_body, 0, unroll=4)

    def store(j, t_v):
        pltpu.async_copy(t_v.at[:, :, pl.ds(0, TBLK)],
                         out_hbm.at[j, :, wid], osem)

    def drain_store(t_v):
        pltpu.make_async_copy(out_hbm.at[0, :, wid],
                              t_v.at[:, :, pl.ds(0, TBLK)], osem).wait()

    issue(0, rows0_v, sem0)

    def pair_body(t, _):
        j0 = 2 * t
        issue(j0 + 1, rows1_v, sem1)
        drain(rows0_v, sem0)

        @pl.when(t > 0)
        def _():
            drain_store(t0_v)

        transform(rows0_v, t0_v)
        store(j0, t0_v)

        @pl.when(j0 + 2 < COLS)
        def _():
            issue(j0 + 2, rows0_v, sem0)

        drain(rows1_v, sem1)

        @pl.when(t > 0)
        def _():
            drain_store(t1_v)

        transform(rows1_v, t1_v)
        store(j0 + 1, t1_v)
        return 0

    lax.fori_loop(0, COLS // 2, pair_body, 0)
    drain_store(t0_v)
    drain_store(t1_v)


def kernel(tokens, table):
    tp = _retile(table)
    out5 = _embed_gather(tokens.astype(jnp.int32).T, tp)
    return out5.transpose(2, 4, 0, 1, 3).reshape(ROWS, COLS, EMBED)

# --- scband reference (transcript-rebuilt; emitter-appended) ---
"""Pipeline reference for scband-token-embedding-9440338117373 (READ-ONLY COPY).

The authoritative reference and input builder live on the scoring server;
editing this copy changes nothing except your own understanding.
"""

import jax, jax.numpy as jnp
import numpy as np
import math

VOCAB = 1000000
EMBED = 64

def setup_inputs(seed: int = 0) -> dict:
    key = jax.random.key(seed)
    k1, k2 = jax.random.split(key)
    tokens = jax.random.randint(k1, (4096, 200), 0, VOCAB, dtype=jnp.int64)
    table = jax.random.normal(k2, (VOCAB, EMBED), dtype=jnp.float32) * 0.02
    return {"tokens": tokens, "table": table}

def reference(tokens, table):
    emb = jnp.take(table, tokens, axis=0)
    return emb * math.sqrt(EMBED)

if __name__ == "__main__":
    import jax
    _d = setup_inputs()
    print(jax.jit(kernel)(*tuple(_d.values())))

</pallas_src>

<mosaic_0001>
#map = affine_map<(d0, d1) -> (0, 0)>
#map1 = affine_map<(d0, d1) -> (0, 0, 0, 0, 0)>
module attributes {stable_mosaic.version = 14 : i64} {
  func.func @_embed_gather(%arg0: i32, %arg1: i32, %arg2: memref<200x4096xi32, #tpu.memory_space<hbm>>, %arg3: memref<1000000x128xf32, #tpu.memory_space<hbm>>, %arg4: memref<200x8x32x8x128xf32, #tpu.memory_space<hbm>>, %arg5: memref<200x128xi32, #tpu.memory_space<vmem>>, %arg6: memref<128x128xf32, #tpu.memory_space<vmem>>, %arg7: memref<128x128xf32, #tpu.memory_space<vmem>>, %arg8: memref<8x8x129xf32, #tpu.memory_space<vmem>>, %arg9: memref<8x8x129xf32, #tpu.memory_space<vmem>>, %arg10: memref<!tpu.dma_semaphore, #tpu.memory_space<semaphore_mem>>, %arg11: memref<!tpu.dma_semaphore, #tpu.memory_space<semaphore_mem>>, %arg12: memref<!tpu.dma_semaphore, #tpu.memory_space<semaphore_mem>>) attributes {dimension_semantics = [#tpu.dimension_semantics<core_parallel>, #tpu.dimension_semantics<subcore_parallel>], iteration_bounds = array<i64: 2, 16>, scalar_prefetch = 0 : i64, scratch_operands = 8 : i64, tpu.core_type = #tpu.core_type<sc_vector_subcore>, window_params = [{transform_indices = #map}, {transform_indices = #map}, {transform_indices = #map1}]} {
    %mul3A = arith.constant 2 : i32
    %mul3A_0 = arith.muli %arg1, %mul3A : i32
    %add3A = arith.addi %mul3A_0, %arg0 : i32
    %mul3A_1 = arith.constant 128 : i32
    %mul3A_2 = arith.muli %add3A, %mul3A_1 : i32
    "tpu.region"() ({
      %run_scoped3A = tpu.sem_alloc : memref<!tpu.dma_semaphore, #tpu.memory_space<semaphore_mem>>
      %dma_start3A_68 = arith.constant 0 : i32
      %dma_start3A_69 = tpu.memref_slice %arg2[%dma_start3A_68, %mul3A_2] : memref<200x4096xi32, #tpu.memory_space<hbm>> -> memref<200x128xi32, #tpu.memory_space<hbm>>
      %dma_start3A_70 = arith.constant 0 : i32
      %dma_start3A_71 = tpu.memref_slice %arg2[%dma_start3A_70, %mul3A_2] : memref<200x4096xi32, #tpu.memory_space<hbm>> -> memref<200x128xi32, #tpu.memory_space<hbm>>
      tpu.enqueue_dma source(%dma_start3A_71 : memref<200x128xi32, #tpu.memory_space<hbm>>) target(%arg5 : memref<200x128xi32, #tpu.memory_space<vmem>>) target_semaphore(%run_scoped3A : memref<!tpu.dma_semaphore, #tpu.memory_space<semaphore_mem>>)
      %dma_wait3A_72 = arith.constant 0 : i32
      %dma_wait3A_73 = tpu.memref_slice %arg2[%dma_wait3A_72, %mul3A_2] : memref<200x4096xi32, #tpu.memory_space<hbm>> -> memref<200x128xi32, #tpu.memory_space<hbm>>
      %dma_wait3A_74 = arith.constant 0 : i32
      %dma_wait3A_75 = tpu.memref_slice %arg2[%dma_wait3A_74, %mul3A_2] : memref<200x4096xi32, #tpu.memory_space<hbm>> -> memref<200x128xi32, #tpu.memory_space<hbm>>
      tpu.wait_dma2 semaphore(%run_scoped3A : memref<!tpu.dma_semaphore, #tpu.memory_space<semaphore_mem>>) src(%dma_wait3A_75 : memref<200x128xi32, #tpu.memory_space<hbm>>) dst(%arg5 : memref<200x128xi32, #tpu.memory_space<vmem>>)
      tpu.yield
    }) : () -> ()
    %iota3A = tpu.iota {dimensions = array<i32: 0>} : vector<16xi32>
    %and3A = arith.constant 7 : i32
    %and3A_3 = vector.broadcast %and3A : i32 to vector<16xi32>
    %and3A_4 = arith.andi %iota3A, %and3A_3 : vector<16xi32>
    %shift_right_arithmetic3A = arith.constant 3 : i32
    %shift_right_arithmetic3A_5 = vector.broadcast %shift_right_arithmetic3A : i32 to vector<16xi32>
    %shift_right_arithmetic3A_6 = arith.shrsi %iota3A, %shift_right_arithmetic3A_5 : vector<16xi32>
    %add3A_7 = arith.constant 0 : i32
    %add3A_8 = vector.broadcast %add3A_7 : i32 to vector<16xi32>
    %add3A_9 = arith.addi %shift_right_arithmetic3A_6, %add3A_8 : vector<16xi32>
    %add3A_10 = arith.constant 2 : i32
    %add3A_11 = vector.broadcast %add3A_10 : i32 to vector<16xi32>
    %add3A_12 = arith.addi %shift_right_arithmetic3A_6, %add3A_11 : vector<16xi32>
    %add3A_13 = arith.constant 4 : i32
    %add3A_14 = vector.broadcast %add3A_13 : i32 to vector<16xi32>
    %add3A_15 = arith.addi %shift_right_arithmetic3A_6, %add3A_14 : vector<16xi32>
    %add3A_16 = arith.constant 6 : i32
    %add3A_17 = vector.broadcast %add3A_16 : i32 to vector<16xi32>
    %add3A_18 = arith.addi %shift_right_arithmetic3A_6, %add3A_17 : vector<16xi32>
    %dma_start3A = arith.constant 0 : i32
    %dma_start3A_19 = arith.constant 0 : i32
    %dma_start3A_20 = tpu.memref_slice %arg5[%dma_start3A, %dma_start3A_19] : memref<200x128xi32, #tpu.memory_space<vmem>> -> memref<1x128xi32, #tpu.memory_space<vmem>>
    %dma_start3A_21 = tpu.memref_squeeze %dma_start3A_20 : memref<1x128xi32, #tpu.memory_space<vmem>> -> memref<128xi32, #tpu.memory_space<vmem>>
    %dma_start3A_22 = arith.constant 0 : i32
    %dma_start3A_23 = arith.constant 0 : i32
    %dma_start3A_24 = tpu.memref_slice %arg3[%dma_start3A_22, %dma_start3A_23] : memref<1000000x128xf32, #tpu.memory_space<hbm>> -> memref<1000000x128xf32, #tpu.memory_space<hbm>>
    tpu.enqueue_indirect_dma source(%dma_start3A_24 : memref<1000000x128xf32, #tpu.memory_space<hbm>>) target(%arg6 : memref<128x128xf32, #tpu.memory_space<vmem>>) offsets(%dma_start3A_21 : memref<128xi32, #tpu.memory_space<vmem>>) semaphore(%arg10 : memref<!tpu.dma_semaphore, #tpu.memory_space<semaphore_mem>>)
    %scan3A = arith.constant 0 : i32
    %scan3A_25 = arith.constant 0 : i32
    %scan3A_26 = arith.constant 100 : i32
    %scan3A_27 = arith.addi %scan3A_25, %scan3A_26 : i32
    %scan3A_28 = arith.constant 1 : i32
    %scan3A_29 = scf.for %scan3A_68 = %scan3A_25 to %scan3A_27 step %scan3A_28 iter_args(%scan3A_69 = %scan3A) -> (i32)  : i32 {
      %mul3A_70 = arith.constant 2 : i32
      %mul3A_71 = arith.muli %mul3A_70, %scan3A_68 : i32
      %add3A_72 = arith.constant 1 : i32
      %add3A_73 = arith.addi %mul3A_71, %add3A_72 : i32
      %dma_start3A_74 = arith.constant 0 : i32
      %dma_start3A_75 = tpu.memref_slice %arg5[%add3A_73, %dma_start3A_74] : memref<200x128xi32, #tpu.memory_space<vmem>> -> memref<1x128xi32, #tpu.memory_space<vmem>>
      %dma_start3A_76 = tpu.memref_squeeze %dma_start3A_75 : memref<1x128xi32, #tpu.memory_space<vmem>> -> memref<128xi32, #tpu.memory_space<vmem>>
      %dma_start3A_77 = arith.constant 0 : i32
      %dma_start3A_78 = arith.constant 0 : i32
      %dma_start3A_79 = tpu.memref_slice %arg3[%dma_start3A_77, %dma_start3A_78] : memref<1000000x128xf32, #tpu.memory_space<hbm>> -> memref<1000000x128xf32, #tpu.memory_space<hbm>>
      tpu.enqueue_indirect_dma source(%dma_start3A_79 : memref<1000000x128xf32, #tpu.memory_space<hbm>>) target(%arg7 : memref<128x128xf32, #tpu.memory_space<vmem>>) offsets(%dma_start3A_76 : memref<128xi32, #tpu.memory_space<vmem>>) semaphore(%arg11 : memref<!tpu.dma_semaphore, #tpu.memory_space<semaphore_mem>>)
      %dma_wait3A_80 = arith.constant 0 : i32
      %dma_wait3A_81 = arith.constant 0 : i32
      %dma_wait3A_82 = tpu.memref_slice %arg5[%dma_wait3A_80, %dma_wait3A_81] : memref<200x128xi32, #tpu.memory_space<vmem>> -> memref<1x128xi32, #tpu.memory_space<vmem>>
      %dma_wait3A_83 = tpu.memref_squeeze %dma_wait3A_82 : memref<1x128xi32, #tpu.memory_space<vmem>> -> memref<128xi32, #tpu.memory_space<vmem>>
      %dma_wait3A_84 = arith.constant 0 : i32
      %dma_wait3A_85 = arith.constant 0 : i32
      %dma_wait3A_86 = tpu.memref_slice %arg3[%dma_wait3A_84, %dma_wait3A_85] : memref<1000000x128xf32, #tpu.memory_space<hbm>> -> memref<1000000x128xf32, #tpu.memory_space<hbm>>
      tpu.wait_indirect_dma semaphore(%arg10 : memref<!tpu.dma_semaphore, #tpu.memory_space<semaphore_mem>>) src(%dma_wait3A_86 : memref<1000000x128xf32, #tpu.memory_space<hbm>>) dst(%arg6 : memref<128x128xf32, #tpu.memory_space<vmem>>)
      %gt3A = arith.constant 0 : i32
      %gt3A_87 = arith.cmpi sgt, %scan3A_68, %gt3A : i32
      %convert_element_type3A = arith.extui %gt3A_87 : i1 to i32
      %cond3A = arith.constant 0 : i32
      %cond3A_88 = arith.cmpi ne, %convert_element_type3A, %cond3A : i32
      scf.if %cond3A_88 {
        %dma_wait3A_160 = arith.constant 0 : i32
        %dma_wait3A_161 = arith.constant 0 : i32
        %dma_wait3A_162 = arith.constant 0 : i32
        %dma_wait3A_163 = arith.constant 0 : i32
        %dma_wait3A_164 = tpu.memref_slice %arg8[%dma_wait3A_161, %dma_wait3A_162, %dma_wait3A_163] : memref<8x8x129xf32, #tpu.memory_space<vmem>> -> memref<8x8x128xf32, #tpu.memory_space<vmem>>
        %dma_wait3A_165 = arith.constant 0 : i32
        %dma_wait3A_166 = arith.constant 0 : i32
        %dma_wait3A_167 = arith.constant 0 : i32
        %dma_wait3A_168 = tpu.memref_slice %arg4[%dma_wait3A_160, %dma_wait3A_165, %add3A, %dma_wait3A_166, %dma_wait3A_167] : memref<200x8x32x8x128xf32, #tpu.memory_space<hbm>> -> memref<1x8x1x8x128xf32, #tpu.memory_space<hbm>>
        %dma_wait3A_169 = tpu.memref_squeeze %dma_wait3A_168 : memref<1x8x1x8x128xf32, #tpu.memory_space<hbm>> -> memref<8x8x128xf32, #tpu.memory_space<hbm>>
        %dma_wait3A_170 = arith.constant 0 : i32
        %dma_wait3A_171 = arith.constant 0 : i32
        %dma_wait3A_172 = arith.constant 0 : i32
        %dma_wait3A_173 = tpu.memref_slice %arg8[%dma_wait3A_170, %dma_wait3A_171, %dma_wait3A_172] : memref<8x8x129xf32, #tpu.memory_space<vmem>> -> memref<8x8x128xf32, #tpu.memory_space<vmem>>
        %dma_wait3A_174 = arith.constant 0 : i32
        %dma_wait3A_175 = arith.constant 0 : i32
        %dma_wait3A_176 = arith.constant 0 : i32
        %dma_wait3A_177 = tpu.memref_slice %arg4[%dma_wait3A_160, %dma_wait3A_174, %add3A, %dma_wait3A_175, %dma_wait3A_176] : memref<200x8x32x8x128xf32, #tpu.memory_space<hbm>> -> memref<1x8x1x8x128xf32, #tpu.memory_space<hbm>>
        %dma_wait3A_178 = tpu.memref_squeeze %dma_wait3A_177 : memref<1x8x1x8x128xf32, #tpu.memory_space<hbm>> -> memref<8x8x128xf32, #tpu.memory_space<hbm>>
        tpu.wait_dma2 semaphore(%arg12 : memref<!tpu.dma_semaphore, #tpu.memory_space<semaphore_mem>>) src(%dma_wait3A_178 : memref<8x8x128xf32, #tpu.memory_space<hbm>>) dst(%dma_wait3A_173 : memref<8x8x128xf32, #tpu.memory_space<vmem>>)
      } else {
      }
      %scan3A_89 = arith.constant 0 : i32
      %scan3A_90 = arith.constant 0 : i32
      %scan3A_91 = arith.constant 128 : i32
      %scan3A_92 = arith.addi %scan3A_90, %scan3A_91 : i32
      %scan3A_93 = arith.constant 4 : i32
      %scan3A_94 = scf.for %scan3A_160 = %scan3A_90 to %scan3A_92 step %scan3A_93 iter_args(%scan3A_161 = %scan3A_89) -> (i32)  : i32 {
        %broadcast_in_dim3A = arith.constant 0 : i32
        %broadcast_in_dim3A_162 = vector.broadcast %broadcast_in_dim3A : i32 to vector<16xi32>
        %add3A_163 = vector.broadcast %scan3A_160 : i32 to vector<16xi32>
        %add3A_164 = arith.addi %broadcast_in_dim3A_162, %add3A_163 : vector<16xi32>
        %get3A = arith.index_cast %scan3A_160 : i32 to index
        %get3A_165 = arith.constant 0 : index
        %get3A_166 = tpu.vector_load %arg6[%get3A, %get3A_165] {strides = array<i32>} : memref<128x128xf32, #tpu.memory_space<vmem>>, vector<16xf32>,
        %mul3A_167 = arith.constant 8.000000e+00 : f32
        %mul3A_168 = vector.broadcast %mul3A_167 : f32 to vector<16xf32>
        %mul3A_169 = arith.mulf %get3A_166, %mul3A_168 : vector<16xf32>
        tpu.vector_store_idx %arg8[%add3A_9, %and3A_4, %add3A_164], %mul3A_169 : memref<8x8x129xf32, #tpu.memory_space<vmem>>[vector<16xi32>, vector<16xi32>, vector<16xi32>], vector<16xf32>,
        %get3A_170 = arith.index_cast %scan3A_160 : i32 to index
        %get3A_171 = arith.constant 16 : index
        %get3A_172 = tpu.vector_load %arg6[%get3A_170, %get3A_171] {strides = array<i32>} : memref<128x128xf32, #tpu.memory_space<vmem>>, vector<16xf32>,
        %mul3A_173 = arith.constant 8.000000e+00 : f32
        %mul3A_174 = vector.broadcast %mul3A_173 : f32 to vector<16xf32>
        %mul3A_175 = arith.mulf %get3A_172, %mul3A_174 : vector<16xf32>
        tpu.vector_store_idx %arg8[%add3A_12, %and3A_4, %add3A_164], %mul3A_175 : memref<8x8x129xf32, #tpu.memory_space<vmem>>[vector<16xi32>, vector<16xi32>, vector<16xi32>], vector<16xf32>,
        %get3A_176 = arith.index_cast %scan3A_160 : i32 to index
        %get3A_177 = arith.constant 32 : index
        %get3A_178 = tpu.vector_load %arg6[%get3A_176, %get3A_177] {strides = array<i32>} : memref<128x128xf32, #tpu.memory_space<vmem>>, vector<16xf32>,
        %mul3A_179 = arith.constant 8.000000e+00 : f32
        %mul3A_180 = vector.broadcast %mul3A_179 : f32 to vector<16xf32>
        %mul3A_181 = arith.mulf %get3A_178, %mul3A_180 : vector<16xf32>
        tpu.vector_store_idx %arg8[%add3A_15, %and3A_4, %add3A_164], %mul3A_181 : memref<8x8x129xf32, #tpu.memory_space<vmem>>[vector<16xi32>, vector<16xi32>, vector<16xi32>], vector<16xf32>,
        %get3A_182 = arith.index_cast %scan3A_160 : i32 to index
        %get3A_183 = arith.constant 48 : index
        %get3A_184 = tpu.vector_load %arg6[%get3A_182, %get3A_183] {strides = array<i32>} : memref<128x128xf32, #tpu.memory_space<vmem>>, vector<16xf32>,
        %mul3A_185 = arith.constant 8.000000e+00 : f32
        %mul3A_186 = vector.broadcast %mul3A_185 : f32 to vector<16xf32>
        %mul3A_187 = arith.mulf %get3A_184, %mul3A_186 : vector<16xf32>
        tpu.vector_store_idx %arg8[%add3A_18, %and3A_4, %add3A_164], %mul3A_187 : memref<8x8x129xf32, #tpu.memory_space<vmem>>[vector<16xi32>, vector<16xi32>, vector<16xi32>], vector<16xf32>,
        %scan3A_188 = arith.constant 0 : i32
        %scan3A_189 = arith.constant 1 : i32
        %scan3A_190 = arith.addi %scan3A_160, %scan3A_189 : i32
        %broadcast_in_dim3A_191 = arith.constant 0 : i32
        %broadcast_in_dim3A_192 = vector.broadcast %broadcast_in_dim3A_191 : i32 to vector<16xi32>
        %add3A_193 = vector.broadcast %scan3A_190 : i32 to vector<16xi32>
        %add3A_194 = arith.addi %broadcast_in_dim3A_192, %add3A_193 : vector<16xi32>
        %get3A_195 = arith.index_cast %scan3A_190 : i32 to index
        %get3A_196 = arith.constant 0 : index
        %get3A_197 = tpu.vector_load %arg6[%get3A_195, %get3A_196] {strides = array<i32>} : memref<128x128xf32, #tpu.memory_space<vmem>>, vector<16xf32>,
        %mul3A_198 = arith.constant 8.000000e+00 : f32
        %mul3A_199 = vector.broadcast %mul3A_198 : f32 to vector<16xf32>
        %mul3A_200 = arith.mulf %get3A_197, %mul3A_199 : vector<16xf32>
        tpu.vector_store_idx %arg8[%add3A_9, %and3A_4, %add3A_194], %mul3A_200 : memref<8x8x129xf32, #tpu.memory_space<vmem>>[vector<16xi32>, vector<16xi32>, vector<16xi32>], vector<16xf32>,
        %get3A_201 = arith.index_cast %scan3A_190 : i32 to index
        %get3A_202 = arith.constant 16 : index
        %get3A_203 = tpu.vector_load %arg6[%get3A_201, %get3A_202] {strides = array<i32>} : memref<128x128xf32, #tpu.memory_space<vmem>>, vector<16xf32>,
        %mul3A_204 = arith.constant 8.000000e+00 : f32
        %mul3A_205 = vector.broadcast %mul3A_204 : f32 to vector<16xf32>
        %mul3A_206 = arith.mulf %get3A_203, %mul3A_205 : vector<16xf32>
        tpu.vector_store_idx %arg8[%add3A_12, %and3A_4, %add3A_194], %mul3A_206 : memref<8x8x129xf32, #tpu.memory_space<vmem>>[vector<16xi32>, vector<16xi32>, vector<16xi32>], vector<16xf32>,
        %get3A_207 = arith.index_cast %scan3A_190 : i32 to index
        %get3A_208 = arith.constant 32 : index
        %get3A_209 = tpu.vector_load %arg6[%get3A_207, %get3A_208] {strides = array<i32>} : memref<128x128xf32, #tpu.memory_space<vmem>>, vector<16xf32>,
        %mul3A_210 = arith.constant 8.000000e+00 : f32
        %mul3A_211 = vector.broadcast %mul3A_210 : f32 to vector<16xf32>
        %mul3A_212 = arith.mulf %get3A_209, %mul3A_211 : vector<16xf32>
        tpu.vector_store_idx %arg8[%add3A_15, %and3A_4, %add3A_194], %mul3A_212 : memref<8x8x129xf32, #tpu.memory_space<vmem>>[vector<16xi32>, vector<16xi32>, vector<16xi32>], vector<16xf32>,
        %get3A_213 = arith.index_cast %scan3A_190 : i32 to index
        %get3A_214 = arith.constant 48 : index
        %get3A_215 = tpu.vector_load %arg6[%get3A_213, %get3A_214] {strides = array<i32>} : memref<128x128xf32, #tpu.memory_space<vmem>>, vector<16xf32>,
        %mul3A_216 = arith.constant 8.000000e+00 : f32
        %mul3A_217 = vector.broadcast %mul3A_216 : f32 to vector<16xf32>
        %mul3A_218 = arith.mulf %get3A_215, %mul3A_217 : vector<16xf32>
        tpu.vector_store_idx %arg8[%add3A_18, %and3A_4, %add3A_194], %mul3A_218 : memref<8x8x129xf32, #tpu.memory_space<vmem>>[vector<16xi32>, vector<16xi32>, vector<16xi32>], vector<16xf32>,
        %scan3A_219 = arith.constant 0 : i32
        %scan3A_220 = arith.constant 2 : i32
        %scan3A_221 = arith.addi %scan3A_160, %scan3A_220 : i32
        %broadcast_in_dim3A_222 = arith.constant 0 : i32
        %broadcast_in_dim3A_223 = vector.broadcast %broadcast_in_dim3A_222 : i32 to vector<16xi32>
        %add3A_224 = vector.broadcast %scan3A_221 : i32 to vector<16xi32>
        %add3A_225 = arith.addi %broadcast_in_dim3A_223, %add3A_224 : vector<16xi32>
        %get3A_226 = arith.index_cast %scan3A_221 : i32 to index
        %get3A_227 = arith.constant 0 : index
        %get3A_228 = tpu.vector_load %arg6[%get3A_226, %get3A_227] {strides = array<i32>} : memref<128x128xf32, #tpu.memory_space<vmem>>, vector<16xf32>,
        %mul3A_229 = arith.constant 8.000000e+00 : f32
        %mul3A_230 = vector.broadcast %mul3A_229 : f32 to vector<16xf32>
        %mul3A_231 = arith.mulf %get3A_228, %mul3A_230 : vector<16xf32>
        tpu.vector_store_idx %arg8[%add3A_9, %and3A_4, %add3A_225], %mul3A_231 : memref<8x8x129xf32, #tpu.memory_space<vmem>>[vector<16xi32>, vector<16xi32>, vector<16xi32>], vector<16xf32>,
        %get3A_232 = arith.index_cast %scan3A_221 : i32 to index
        %get3A_233 = arith.constant 16 : index
        %get3A_234 = tpu.vector_load %arg6[%get3A_232, %get3A_233] {strides = array<i32>} : memref<128x128xf32, #tpu.memory_space<vmem>>, vector<16xf32>,
        %mul3A_235 = arith.constant 8.000000e+00 : f32
        %mul3A_236 = vector.broadcast %mul3A_235 : f32 to vector<16xf32>
        %mul3A_237 = arith.mulf %get3A_234, %mul3A_236 : vector<16xf32>
        tpu.vector_store_idx %arg8[%add3A_12, %and3A_4, %add3A_225], %mul3A_237 : memref<8x8x129xf32, #tpu.memory_space<vmem>>[vector<16xi32>, vector<16xi32>, vector<16xi32>], vector<16xf32>,
        %get3A_238 = arith.index_cast %scan3A_221 : i32 to index
        %get3A_239 = arith.constant 32 : index
        %get3A_240 = tpu.vector_load %arg6[%get3A_238, %get3A_239] {strides = array<i32>} : memref<128x128xf32, #tpu.memory_space<vmem>>, vector<16xf32>,
        %mul3A_241 = arith.constant 8.000000e+00 : f32
        %mul3A_242 = vector.broadcast %mul3A_241 : f32 to vector<16xf32>
        %mul3A_243 = arith.mulf %get3A_240, %mul3A_242 : vector<16xf32>
        tpu.vector_store_idx %arg8[%add3A_15, %and3A_4, %add3A_225], %mul3A_243 : memref<8x8x129xf32, #tpu.memory_space<vmem>>[vector<16xi32>, vector<16xi32>, vector<16xi32>], vector<16xf32>,
        %get3A_244 = arith.index_cast %scan3A_221 : i32 to index
        %get3A_245 = arith.constant 48 : index
        %get3A_246 = tpu.vector_load %arg6[%get3A_244, %get3A_245] {strides = array<i32>} : memref<128x128xf32, #tpu.memory_space<vmem>>, vector<16xf32>,
        %mul3A_247 = arith.constant 8.000000e+00 : f32
        %mul3A_248 = vector.broadcast %mul3A_247 : f32 to vector<16xf32>
        %mul3A_249 = arith.mulf %get3A_246, %mul3A_248 : vector<16xf32>
        tpu.vector_store_idx %arg8[%add3A_18, %and3A_4, %add3A_225], %mul3A_249 : memref<8x8x129xf32, #tpu.memory_space<vmem>>[vector<16xi32>, vector<16xi32>, vector<16xi32>], vector<16xf32>,
        %scan3A_250 = arith.constant 0 : i32
        %scan3A_251 = arith.constant 3 : i32
        %scan3A_252 = arith.addi %scan3A_160, %scan3A_251 : i32
        %broadcast_in_dim3A_253 = arith.constant 0 : i32
        %broadcast_in_dim3A_254 = vector.broadcast %broadcast_in_dim3A_253 : i32 to vector<16xi32>
        %add3A_255 = vector.broadcast %scan3A_252 : i32 to vector<16xi32>
        %add3A_256 = arith.addi %broadcast_in_dim3A_254, %add3A_255 : vector<16xi32>
        %get3A_257 = arith.index_cast %scan3A_252 : i32 to index
        %get3A_258 = arith.constant 0 : index
        %get3A_259 = tpu.vector_load %arg6[%get3A_257, %get3A_258] {strides = array<i32>} : memref<128x128xf32, #tpu.memory_space<vmem>>, vector<16xf32>,
        %mul3A_260 = arith.constant 8.000000e+00 : f32
        %mul3A_261 = vector.broadcast %mul3A_260 : f32 to vector<16xf32>
        %mul3A_262 = arith.mulf %get3A_259, %mul3A_261 : vector<16xf32>
        tpu.vector_store_idx %arg8[%add3A_9, %and3A_4, %add3A_256], %mul3A_262 : memref<8x8x129xf32, #tpu.memory_space<vmem>>[vector<16xi32>, vector<16xi32>, vector<16xi32>], vector<16xf32>,
        %get3A_263 = arith.index_cast %scan3A_252 : i32 to index
        %get3A_264 = arith.constant 16 : index
        %get3A_265 = tpu.vector_load %arg6[%get3A_263, %get3A_264] {strides = array<i32>} : memref<128x128xf32, #tpu.memory_space<vmem>>, vector<16xf32>,
        %mul3A_266 = arith.constant 8.000000e+00 : f32
        %mul3A_267 = vector.broadcast %mul3A_266 : f32 to vector<16xf32>
        %mul3A_268 = arith.mulf %get3A_265, %mul3A_267 : vector<16xf32>
        tpu.vector_store_idx %arg8[%add3A_12, %and3A_4, %add3A_256], %mul3A_268 : memref<8x8x129xf32, #tpu.memory_space<vmem>>[vector<16xi32>, vector<16xi32>, vector<16xi32>], vector<16xf32>,
        %get3A_269 = arith.index_cast %scan3A_252 : i32 to index
        %get3A_270 = arith.constant 32 : index
        %get3A_271 = tpu.vector_load %arg6[%get3A_269, %get3A_270] {strides = array<i32>} : memref<128x128xf32, #tpu.memory_space<vmem>>, vector<16xf32>,
        %mul3A_272 = arith.constant 8.000000e+00 : f32
        %mul3A_273 = vector.broadcast %mul3A_272 : f32 to vector<16xf32>
        %mul3A_274 = arith.mulf %get3A_271, %mul3A_273 : vector<16xf32>
        tpu.vector_store_idx %arg8[%add3A_15, %and3A_4, %add3A_256], %mul3A_274 : memref<8x8x129xf32, #tpu.memory_space<vmem>>[vector<16xi32>, vector<16xi32>, vector<16xi32>], vector<16xf32>,
        %get3A_275 = arith.index_cast %scan3A_252 : i32 to index
        %get3A_276 = arith.constant 48 : index
        %get3A_277 = tpu.vector_load %arg6[%get3A_275, %get3A_276] {strides = array<i32>} : memref<128x128xf32, #tpu.memory_space<vmem>>, vector<16xf32>,
        %mul3A_278 = arith.constant 8.000000e+00 : f32
        %mul3A_279 = vector.broadcast %mul3A_278 : f32 to vector<16xf32>
        %mul3A_280 = arith.mulf %get3A_277, %mul3A_279 : vector<16xf32>
        tpu.vector_store_idx %arg8[%add3A_18, %and3A_4, %add3A_256], %mul3A_280 : memref<8x8x129xf32, #tpu.memory_space<vmem>>[vector<16xi32>, vector<16xi32>, vector<16xi32>], vector<16xf32>,
        %scan3A_281 = arith.constant 0 : i32
        scf.yield %scan3A_281 : i32
      }
      %scan3A_95 = arith.constant 128 : i32
      %dma_start3A_96 = arith.constant 0 : i32
      %dma_start3A_97 = arith.constant 0 : i32
      %dma_start3A_98 = arith.constant 0 : i32
      %dma_start3A_99 = tpu.memref_slice %arg8[%dma_start3A_96, %dma_start3A_97, %dma_start3A_98] : memref<8x8x129xf32, #tpu.memory_space<vmem>> -> memref<8x8x128xf32, #tpu.memory_space<vmem>>
      %dma_start3A_100 = arith.constant 0 : i32
      %dma_start3A_101 = arith.constant 0 : i32
      %dma_start3A_102 = arith.constant 0 : i32
      %dma_start3A_103 = tpu.memref_slice %arg4[%mul3A_71, %dma_start3A_100, %add3A, %dma_start3A_101, %dma_start3A_102] : memref<200x8x32x8x128xf32, #tpu.memory_space<hbm>> -> memref<1x8x1x8x128xf32, #tpu.memory_space<hbm>>
      %dma_start3A_104 = tpu.memref_squeeze %dma_start3A_103 : memref<1x8x1x8x128xf32, #tpu.memory_space<hbm>> -> memref<8x8x128xf32, #tpu.memory_space<hbm>>
      %dma_start3A_105 = arith.constant 0 : i32
      %dma_start3A_106 = arith.constant 0 : i32
      %dma_start3A_107 = arith.constant 0 : i32
      %dma_start3A_108 = tpu.memref_slice %arg4[%mul3A_71, %dma_start3A_105, %add3A, %dma_start3A_106, %dma_start3A_107] : memref<200x8x32x8x128xf32, #tpu.memory_space<hbm>> -> memref<1x8x1x8x128xf32, #tpu.memory_space<hbm>>
      %dma_start3A_109 = tpu.memref_squeeze %dma_start3A_108 : memref<1x8x1x8x128xf32, #tpu.memory_space<hbm>> -> memref<8x8x128xf32, #tpu.memory_space<hbm>>
      %dma_start3A_110 = arith.constant 0 : i32
      %dma_start3A_111 = arith.constant 0 : i32
      %dma_start3A_112 = arith.constant 0 : i32
      %dma_start3A_113 = tpu.memref_slice %arg8[%dma_start3A_110, %dma_start3A_111, %dma_start3A_112] : memref<8x8x129xf32, #tpu.memory_space<vmem>> -> memref<8x8x128xf32, #tpu.memory_space<vmem>>
      tpu.enqueue_dma source(%dma_start3A_113 : memref<8x8x128xf32, #tpu.memory_space<vmem>>) target(%dma_start3A_109 : memref<8x8x128xf32, #tpu.memory_space<hbm>>) target_semaphore(%arg12 : memref<!tpu.dma_semaphore, #tpu.memory_space<semaphore_mem>>)
      %add3A_114 = arith.constant 2 : i32
      %add3A_115 = arith.addi %mul3A_71, %add3A_114 : i32
      %lt3A = arith.constant 200 : i32
      %lt3A_116 = arith.cmpi slt, %add3A_115, %lt3A : i32
      %convert_element_type3A_117 = arith.extui %lt3A_116 : i1 to i32
      %cond3A_118 = arith.constant 0 : i32
      %cond3A_119 = arith.cmpi ne, %convert_element_type3A_117, %cond3A_118 : i32
      scf.if %cond3A_119 {
        %add3A_160 = arith.constant 2 : i32
        %add3A_161 = arith.addi %mul3A_71, %add3A_160 : i32
        %dma_start3A_162 = arith.constant 0 : i32
        %dma_start3A_163 = tpu.memref_slice %arg5[%add3A_161, %dma_start3A_162] : memref<200x128xi32, #tpu.memory_space<vmem>> -> memref<1x128xi32, #tpu.memory_space<vmem>>
        %dma_start3A_164 = tpu.memref_squeeze %dma_start3A_163 : memref<1x128xi32, #tpu.memory_space<vmem>> -> memref<128xi32, #tpu.memory_space<vmem>>
        %dma_start3A_165 = arith.constant 0 : i32
        %dma_start3A_166 = arith.constant 0 : i32
        %dma_start3A_167 = tpu.memref_slice %arg3[%dma_start3A_165, %dma_start3A_166] : memref<1000000x128xf32, #tpu.memory_space<hbm>> -> memref<1000000x128xf32, #tpu.memory_space<hbm>>
        tpu.enqueue_indirect_dma source(%dma_start3A_167 : memref<1000000x128xf32, #tpu.memory_space<hbm>>) target(%arg6 : memref<128x128xf32, #tpu.memory_space<vmem>>) offsets(%dma_start3A_164 : memref<128xi32, #tpu.memory_space<vmem>>) semaphore(%arg10 : memref<!tpu.dma_semaphore, #tpu.memory_space<semaphore_mem>>)
      } else {
      }
      %dma_wait3A_120 = arith.constant 0 : i32
      %dma_wait3A_121 = arith.constant 0 : i32
      %dma_wait3A_122 = tpu.memref_slice %arg5[%dma_wait3A_120, %dma_wait3A_121] : memref<200x128xi32, #tpu.memory_space<vmem>> -> memref<1x128xi32, #tpu.memory_space<vmem>>
      %dma_wait3A_123 = tpu.memref_squeeze %dma_wait3A_122 : memref<1x128xi32, #tpu.memory_space<vmem>> -> memref<128xi32, #tpu.memory_space<vmem>>
      %dma_wait3A_124 = arith.constant 0 : i32
      %dma_wait3A_125 = arith.constant 0 : i32
      %dma_wait3A_126 = tpu.memref_slice %arg3[%dma_wait3A_124, %dma_wait3A_125] : memref<1000000x128xf32, #tpu.memory_space<hbm>> -> memref<1000000x128xf32, #tpu.memory_space<hbm>>
      tpu.wait_indirect_dma semaphore(%arg11 : memref<!tpu.dma_semaphore, #tpu.memory_space<semaphore_mem>>) src(%dma_wait3A_126 : memref<1000000x128xf32, #tpu.memory_space<hbm>>) dst(%arg7 : memref<128x128xf32, #tpu.memory_space<vmem>>)
      %gt3A_127 = arith.constant 0 : i32
      %gt3A_128 = arith.cmpi sgt, %scan3A_68, %gt3A_127 : i32
      %convert_element_type3A_129 = arith.extui %gt3A_128 : i1 to i32
      %cond3A_130 = arith.constant 0 : i32
      %cond3A_131 = arith.cmpi ne, %convert_element_type3A_129, %cond3A_130 : i32
      scf.if %cond3A_131 {
        %dma_wait3A_160 = arith.constant 0 : i32
        %dma_wait3A_161 = arith.constant 0 : i32
        %dma_wait3A_162 = arith.constant 0 : i32
        %dma_wait3A_163 = arith.constant 0 : i32
        %dma_wait3A_164 = tpu.memref_slice %arg9[%dma_wait3A_161, %dma_wait3A_162, %dma_wait3A_163] : memref<8x8x129xf32, #tpu.memory_space<vmem>> -> memref<8x8x128xf32, #tpu.memory_space<vmem>>
        %dma_wait3A_165 = arith.constant 0 : i32
        %dma_wait3A_166 = arith.constant 0 : i32
        %dma_wait3A_167 = arith.constant 0 : i32
        %dma_wait3A_168 = tpu.memref_slice %arg4[%dma_wait3A_160, %dma_wait3A_165, %add3A, %dma_wait3A_166, %dma_wait3A_167] : memref<200x8x32x8x128xf32, #tpu.memory_space<hbm>> -> memref<1x8x1x8x128xf32, #tpu.memory_space<hbm>>
        %dma_wait3A_169 = tpu.memref_squeeze %dma_wait3A_168 : memref<1x8x1x8x128xf32, #tpu.memory_space<hbm>> -> memref<8x8x128xf32, #tpu.memory_space<hbm>>
        %dma_wait3A_170 = arith.constant 0 : i32
        %dma_wait3A_171 = arith.constant 0 : i32
        %dma_wait3A_172 = arith.constant 0 : i32
        %dma_wait3A_173 = tpu.memref_slice %arg9[%dma_wait3A_170, %dma_wait3A_171, %dma_wait3A_172] : memref<8x8x129xf32, #tpu.memory_space<vmem>> -> memref<8x8x128xf32, #tpu.memory_space<vmem>>
        %dma_wait3A_174 = arith.constant 0 : i32
        %dma_wait3A_175 = arith.constant 0 : i32
        %dma_wait3A_176 = arith.constant 0 : i32
        %dma_wait3A_177 = tpu.memref_slice %arg4[%dma_wait3A_160, %dma_wait3A_174, %add3A, %dma_wait3A_175, %dma_wait3A_176] : memref<200x8x32x8x128xf32, #tpu.memory_space<hbm>> -> memref<1x8x1x8x128xf32, #tpu.memory_space<hbm>>
        %dma_wait3A_178 = tpu.memref_squeeze %dma_wait3A_177 : memref<1x8x1x8x128xf32, #tpu.memory_space<hbm>> -> memref<8x8x128xf32, #tpu.memory_space<hbm>>
        tpu.wait_dma2 semaphore(%arg12 : memref<!tpu.dma_semaphore, #tpu.memory_space<semaphore_mem>>) src(%dma_wait3A_178 : memref<8x8x128xf32, #tpu.memory_space<hbm>>) dst(%dma_wait3A_173 : memref<8x8x128xf32, #tpu.memory_space<vmem>>)
      } else {
      }
      %scan3A_132 = arith.constant 0 : i32
      %scan3A_133 = arith.constant 0 : i32
      %scan3A_134 = arith.constant 128 : i32
      %scan3A_135 = arith.addi %scan3A_133, %scan3A_134 : i32
      %scan3A_136 = arith.constant 4 : i32
      %scan3A_137 = scf.for %scan3A_160 = %scan3A_133 to %scan3A_135 step %scan3A_136 iter_args(%scan3A_161 = %scan3A_132) -> (i32)  : i32 {
        %broadcast_in_dim3A = arith.constant 0 : i32
        %broadcast_in_dim3A_162 = vector.broadcast %broadcast_in_dim3A : i32 to vector<16xi32>
        %add3A_163 = vector.broadcast %scan3A_160 : i32 to vector<16xi32>
        %add3A_164 = arith.addi %broadcast_in_dim3A_162, %add3A_163 : vector<16xi32>
        %get3A = arith.index_cast %scan3A_160 : i32 to index
        %get3A_165 = arith.constant 0 : index
        %get3A_166 = tpu.vector_load %arg7[%get3A, %get3A_165] {strides = array<i32>} : memref<128x128xf32, #tpu.memory_space<vmem>>, vector<16xf32>,
        %mul3A_167 = arith.constant 8.000000e+00 : f32
        %mul3A_168 = vector.broadcast %mul3A_167 : f32 to vector<16xf32>
        %mul3A_169 = arith.mulf %get3A_166, %mul3A_168 : vector<16xf32>
        tpu.vector_store_idx %arg9[%add3A_9, %and3A_4, %add3A_164], %mul3A_169 : memref<8x8x129xf32, #tpu.memory_space<vmem>>[vector<16xi32>, vector<16xi32>, vector<16xi32>], vector<16xf32>,
        %get3A_170 = arith.index_cast %scan3A_160 : i32 to index
        %get3A_171 = arith.constant 16 : index
        %get3A_172 = tpu.vector_load %arg7[%get3A_170, %get3A_171] {strides = array<i32>} : memref<128x128xf32, #tpu.memory_space<vmem>>, vector<16xf32>,
        %mul3A_173 = arith.constant 8.000000e+00 : f32
        %mul3A_174 = vector.broadcast %mul3A_173 : f32 to vector<16xf32>
        %mul3A_175 = arith.mulf %get3A_172, %mul3A_174 : vector<16xf32>
        tpu.vector_store_idx %arg9[%add3A_12, %and3A_4, %add3A_164], %mul3A_175 : memref<8x8x129xf32, #tpu.memory_space<vmem>>[vector<16xi32>, vector<16xi32>, vector<16xi32>], vector<16xf32>,
        %get3A_176 = arith.index_cast %scan3A_160 : i32 to index
        %get3A_177 = arith.constant 32 : index
        %get3A_178 = tpu.vector_load %arg7[%get3A_176, %get3A_177] {strides = array<i32>} : memref<128x128xf32, #tpu.memory_space<vmem>>, vector<16xf32>,
        %mul3A_179 = arith.constant 8.000000e+00 : f32
        %mul3A_180 = vector.broadcast %mul3A_179 : f32 to vector<16xf32>
        %mul3A_181 = arith.mulf %get3A_178, %mul3A_180 : vector<16xf32>
        tpu.vector_store_idx %arg9[%add3A_15, %and3A_4, %add3A_164], %mul3A_181 : memref<8x8x129xf32, #tpu.memory_space<vmem>>[vector<16xi32>, vector<16xi32>, vector<16xi32>], vector<16xf32>,
        %get3A_182 = arith.index_cast %scan3A_160 : i32 to index
        %get3A_183 = arith.constant 48 : index
        %get3A_184 = tpu.vector_load %arg7[%get3A_182, %get3A_183] {strides = array<i32>} : memref<128x128xf32, #tpu.memory_space<vmem>>, vector<16xf32>,
        %mul3A_185 = arith.constant 8.000000e+00 : f32
        %mul3A_186 = vector.broadcast %mul3A_185 : f32 to vector<16xf32>
        %mul3A_187 = arith.mulf %get3A_184, %mul3A_186 : vector<16xf32>
        tpu.vector_store_idx %arg9[%add3A_18, %and3A_4, %add3A_164], %mul3A_187 : memref<8x8x129xf32, #tpu.memory_space<vmem>>[vector<16xi32>, vector<16xi32>, vector<16xi32>], vector<16xf32>,
        %scan3A_188 = arith.constant 0 : i32
        %scan3A_189 = arith.constant 1 : i32
        %scan3A_190 = arith.addi %scan3A_160, %scan3A_189 : i32
        %broadcast_in_dim3A_191 = arith.constant 0 : i32
        %broadcast_in_dim3A_192 = vector.broadcast %broadcast_in_dim3A_191 : i32 to vector<16xi32>
        %add3A_193 = vector.broadcast %scan3A_190 : i32 to vector<16xi32>
        %add3A_194 = arith.addi %broadcast_in_dim3A_192, %add3A_193 : vector<16xi32>
        %get3A_195 = arith.index_cast %scan3A_190 : i32 to index
        %get3A_196 = arith.constant 0 : index
        %get3A_197 = tpu.vector_load %arg7[%get3A_195, %get3A_196] {strides = array<i32>} : memref<128x128xf32, #tpu.memory_space<vmem>>, vector<16xf32>,
        %mul3A_198 = arith.constant 8.000000e+00 : f32
        %mul3A_199 = vector.broadcast %mul3A_198 : f32 to vector<16xf32>
        %mul3A_200 = arith.mulf %get3A_197, %mul3A_199 : vector<16xf32>
        tpu.vector_store_idx %arg9[%add3A_9, %and3A_4, %add3A_194], %mul3A_200 : memref<8x8x129xf32, #tpu.memory_space<vmem>>[vector<16xi32>, vector<16xi32>, vector<16xi32>], vector<16xf32>,
        %get3A_201 = arith.index_cast %scan3A_190 : i32 to index
        %get3A_202 = arith.constant 16 : index
        %get3A_203 = tpu.vector_load %arg7[%get3A_201, %get3A_202] {strides = array<i32>} : memref<128x128xf32, #tpu.memory_space<vmem>>, vector<16xf32>,
        %mul3A_204 = arith.constant 8.000000e+00 : f32
        %mul3A_205 = vector.broadcast %mul3A_204 : f32 to vector<16xf32>
        %mul3A_206 = arith.mulf %get3A_203, %mul3A_205 : vector<16xf32>
        tpu.vector_store_idx %arg9[%add3A_12, %and3A_4, %add3A_194], %mul3A_206 : memref<8x8x129xf32, #tpu.memory_space<vmem>>[vector<16xi32>, vector<16xi32>, vector<16xi32>], vector<16xf32>,
        %get3A_207 = arith.index_cast %scan3A_190 : i32 to index
        %get3A_208 = arith.constant 32 : index
        %get3A_209 = tpu.vector_load %arg7[%get3A_207, %get3A_208] {strides = array<i32>} : memref<128x128xf32, #tpu.memory_space<vmem>>, vector<16xf32>,
        %mul3A_210 = arith.constant 8.000000e+00 : f32
        %mul3A_211 = vector.broadcast %mul3A_210 : f32 to vector<16xf32>
        %mul3A_212 = arith.mulf %get3A_209, %mul3A_211 : vector<16xf32>
        tpu.vector_store_idx %arg9[%add3A_15, %and3A_4, %add3A_194], %mul3A_212 : memref<8x8x129xf32, #tpu.memory_space<vmem>>[vector<16xi32>, vector<16xi32>, vector<16xi32>], vector<16xf32>,
        %get3A_213 = arith.index_cast %scan3A_190 : i32 to index
        %get3A_214 = arith.constant 48 : index
        %get3A_215 = tpu.vector_load %arg7[%get3A_213, %get3A_214] {strides = array<i32>} : memref<128x128xf32, #tpu.memory_space<vmem>>, vector<16xf32>,
        %mul3A_216 = arith.constant 8.000000e+00 : f32
        %mul3A_217 = vector.broadcast %mul3A_216 : f32 to vector<16xf32>
        %mul3A_218 = arith.mulf %get3A_215, %mul3A_217 : vector<16xf32>
        tpu.vector_store_idx %arg9[%add3A_18, %and3A_4, %add3A_194], %mul3A_218 : memref<8x8x129xf32, #tpu.memory_space<vmem>>[vector<16xi32>, vector<16xi32>, vector<16xi32>], vector<16xf32>,
        %scan3A_219 = arith.constant 0 : i32
        %scan3A_220 = arith.constant 2 : i32
        %scan3A_221 = arith.addi %scan3A_160, %scan3A_220 : i32
        %broadcast_in_dim3A_222 = arith.constant 0 : i32
        %broadcast_in_dim3A_223 = vector.broadcast %broadcast_in_dim3A_222 : i32 to vector<16xi32>
        %add3A_224 = vector.broadcast %scan3A_221 : i32 to vector<16xi32>
        %add3A_225 = arith.addi %broadcast_in_dim3A_223, %add3A_224 : vector<16xi32>
        %get3A_226 = arith.index_cast %scan3A_221 : i32 to index
        %get3A_227 = arith.constant 0 : index
        %get3A_228 = tpu.vector_load %arg7[%get3A_226, %get3A_227] {strides = array<i32>} : memref<128x128xf32, #tpu.memory_space<vmem>>, vector<16xf32>,
        %mul3A_229 = arith.constant 8.000000e+00 : f32
        %mul3A_230 = vector.broadcast %mul3A_229 : f32 to vector<16xf32>
        %mul3A_231 = arith.mulf %get3A_228, %mul3A_230 : vector<16xf32>
        tpu.vector_store_idx %arg9[%add3A_9, %and3A_4, %add3A_225], %mul3A_231 : memref<8x8x129xf32, #tpu.memory_space<vmem>>[vector<16xi32>, vector<16xi32>, vector<16xi32>], vector<16xf32>,
        %get3A_232 = arith.index_cast %scan3A_221 : i32 to index
        %get3A_233 = arith.constant 16 : index
        %get3A_234 = tpu.vector_load %arg7[%get3A_232, %get3A_233] {strides = array<i32>} : memref<128x128xf32, #tpu.memory_space<vmem>>, vector<16xf32>,
        %mul3A_235 = arith.constant 8.000000e+00 : f32
        %mul3A_236 = vector.broadcast %mul3A_235 : f32 to vector<16xf32>
        %mul3A_237 = arith.mulf %get3A_234, %mul3A_236 : vector<16xf32>
        tpu.vector_store_idx %arg9[%add3A_12, %and3A_4, %add3A_225], %mul3A_237 : memref<8x8x129xf32, #tpu.memory_space<vmem>>[vector<16xi32>, vector<16xi32>, vector<16xi32>], vector<16xf32>,
        %get3A_238 = arith.index_cast %scan3A_221 : i32 to index
        %get3A_239 = arith.constant 32 : index
        %get3A_240 = tpu.vector_load %arg7[%get3A_238, %get3A_239] {strides = array<i32>} : memref<128x128xf32, #tpu.memory_space<vmem>>, vector<16xf32>,
        %mul3A_241 = arith.constant 8.000000e+00 : f32
        %mul3A_242 = vector.broadcast %mul3A_241 : f32 to vector<16xf32>
        %mul3A_243 = arith.mulf %get3A_240, %mul3A_242 : vector<16xf32>
        tpu.vector_store_idx %arg9[%add3A_15, %and3A_4, %add3A_225], %mul3A_243 : memref<8x8x129xf32, #tpu.memory_space<vmem>>[vector<16xi32>, vector<16xi32>, vector<16xi32>], vector<16xf32>,
        %get3A_244 = arith.index_cast %scan3A_221 : i32 to index
        %get3A_245 = arith.constant 48 : index
        %get3A_246 = tpu.vector_load %arg7[%get3A_244, %get3A_245] {strides = array<i32>} : memref<128x128xf32, #tpu.memory_space<vmem>>, vector<16xf32>,
        %mul3A_247 = arith.constant 8.000000e+00 : f32
        %mul3A_248 = vector.broadcast %mul3A_247 : f32 to vector<16xf32>
        %mul3A_249 = arith.mulf %get3A_246, %mul3A_248 : vector<16xf32>
        tpu.vector_store_idx %arg9[%add3A_18, %and3A_4, %add3A_225], %mul3A_249 : memref<8x8x129xf32, #tpu.memory_space<vmem>>[vector<16xi32>, vector<16xi32>, vector<16xi32>], vector<16xf32>,
        %scan3A_250 = arith.constant 0 : i32
        %scan3A_251 = arith.constant 3 : i32
        %scan3A_252 = arith.addi %scan3A_160, %scan3A_251 : i32
        %broadcast_in_dim3A_253 = arith.constant 0 : i32
        %broadcast_in_dim3A_254 = vector.broadcast %broadcast_in_dim3A_253 : i32 to vector<16xi32>
        %add3A_255 = vector.broadcast %scan3A_252 : i32 to vector<16xi32>
        %add3A_256 = arith.addi %broadcast_in_dim3A_254, %add3A_255 : vector<16xi32>
        %get3A_257 = arith.index_cast %scan3A_252 : i32 to index
        %get3A_258 = arith.constant 0 : index
        %get3A_259 = tpu.vector_load %arg7[%get3A_257, %get3A_258] {strides = array<i32>} : memref<128x128xf32, #tpu.memory_space<vmem>>, vector<16xf32>,
        %mul3A_260 = arith.constant 8.000000e+00 : f32
        %mul3A_261 = vector.broadcast %mul3A_260 : f32 to vector<16xf32>
        %mul3A_262 = arith.mulf %get3A_259, %mul3A_261 : vector<16xf32>
        tpu.vector_store_idx %arg9[%add3A_9, %and3A_4, %add3A_256], %mul3A_262 : memref<8x8x129xf32, #tpu.memory_space<vmem>>[vector<16xi32>, vector<16xi32>, vector<16xi32>], vector<16xf32>,
        %get3A_263 = arith.index_cast %scan3A_252 : i32 to index
        %get3A_264 = arith.constant 16 : index
        %get3A_265 = tpu.vector_load %arg7[%get3A_263, %get3A_264] {strides = array<i32>} : memref<128x128xf32, #tpu.memory_space<vmem>>, vector<16xf32>,
        %mul3A_266 = arith.constant 8.000000e+00 : f32
        %mul3A_267 = vector.broadcast %mul3A_266 : f32 to vector<16xf32>
        %mul3A_268 = arith.mulf %get3A_265, %mul3A_267 : vector<16xf32>
        tpu.vector_store_idx %arg9[%add3A_12, %and3A_4, %add3A_256], %mul3A_268 : memref<8x8x129xf32, #tpu.memory_space<vmem>>[vector<16xi32>, vector<16xi32>, vector<16xi32>], vector<16xf32>,
        %get3A_269 = arith.index_cast %scan3A_252 : i32 to index
        %get3A_270 = arith.constant 32 : index
        %get3A_271 = tpu.vector_load %arg7[%get3A_269, %get3A_270] {strides = array<i32>} : memref<128x128xf32, #tpu.memory_space<vmem>>, vector<16xf32>,
        %mul3A_272 = arith.constant 8.000000e+00 : f32
        %mul3A_273 = vector.broadcast %mul3A_272 : f32 to vector<16xf32>
        %mul3A_274 = arith.mulf %get3A_271, %mul3A_273 : vector<16xf32>
        tpu.vector_store_idx %arg9[%add3A_15, %and3A_4, %add3A_256], %mul3A_274 : memref<8x8x129xf32, #tpu.memory_space<vmem>>[vector<16xi32>, vector<16xi32>, vector<16xi32>], vector<16xf32>,
        %get3A_275 = arith.index_cast %scan3A_252 : i32 to index
        %get3A_276 = arith.constant 48 : index
        %get3A_277 = tpu.vector_load %arg7[%get3A_275, %get3A_276] {strides = array<i32>} : memref<128x128xf32, #tpu.memory_space<vmem>>, vector<16xf32>,
        %mul3A_278 = arith.constant 8.000000e+00 : f32
        %mul3A_279 = vector.broadcast %mul3A_278 : f32 to vector<16xf32>
        %mul3A_280 = arith.mulf %get3A_277, %mul3A_279 : vector<16xf32>
        tpu.vector_store_idx %arg9[%add3A_18, %and3A_4, %add3A_256], %mul3A_280 : memref<8x8x129xf32, #tpu.memory_space<vmem>>[vector<16xi32>, vector<16xi32>, vector<16xi32>], vector<16xf32>,
        %scan3A_281 = arith.constant 0 : i32
        scf.yield %scan3A_281 : i32
      }
      %scan3A_138 = arith.constant 128 : i32
      %add3A_139 = arith.constant 1 : i32
      %add3A_140 = arith.addi %mul3A_71, %add3A_139 : i32
      %dma_start3A_141 = arith.constant 0 : i32
      %dma_start3A_142 = arith.constant 0 : i32
      %dma_start3A_143 = arith.constant 0 : i32
      %dma_start3A_144 = tpu.memref_slice %arg9[%dma_start3A_141, %dma_start3A_142, %dma_start3A_143] : memref<8x8x129xf32, #tpu.memory_space<vmem>> -> memref<8x8x128xf32, #tpu.memory_space<vmem>>
      %dma_start3A_145 = arith.constant 0 : i32
      %dma_start3A_146 = arith.constant 0 : i32
      %dma_start3A_147 = arith.constant 0 : i32
      %dma_start3A_148 = tpu.memref_slice %arg4[%add3A_140, %dma_start3A_145, %add3A, %dma_start3A_146, %dma_start3A_147] : memref<200x8x32x8x128xf32, #tpu.memory_space<hbm>> -> memref<1x8x1x8x128xf32, #tpu.memory_space<hbm>>
      %dma_start3A_149 = tpu.memref_squeeze %dma_start3A_148 : memref<1x8x1x8x128xf32, #tpu.memory_space<hbm>> -> memref<8x8x128xf32, #tpu.memory_space<hbm>>
      %dma_start3A_150 = arith.constant 0 : i32
      %dma_start3A_151 = arith.constant 0 : i32
      %dma_start3A_152 = arith.constant 0 : i32
      %dma_start3A_153 = tpu.memref_slice %arg4[%add3A_140, %dma_start3A_150, %add3A, %dma_start3A_151, %dma_start3A_152] : memref<200x8x32x8x128xf32, #tpu.memory_space<hbm>> -> memref<1x8x1x8x128xf32, #tpu.memory_space<hbm>>
      %dma_start3A_154 = tpu.memref_squeeze %dma_start3A_153 : memref<1x8x1x8x128xf32, #tpu.memory_space<hbm>> -> memref<8x8x128xf32, #tpu.memory_space<hbm>>
      %dma_start3A_155 = arith.constant 0 : i32
      %dma_start3A_156 = arith.constant 0 : i32
      %dma_start3A_157 = arith.constant 0 : i32
      %dma_start3A_158 = tpu.memref_slice %arg9[%dma_start3A_155, %dma_start3A_156, %dma_start3A_157] : memref<8x8x129xf32, #tpu.memory_space<vmem>> -> memref<8x8x128xf32, #tpu.memory_space<vmem>>
      tpu.enqueue_dma source(%dma_start3A_158 : memref<8x8x128xf32, #tpu.memory_space<vmem>>) target(%dma_start3A_154 : memref<8x8x128xf32, #tpu.memory_space<hbm>>) target_semaphore(%arg12 : memref<!tpu.dma_semaphore, #tpu.memory_space<semaphore_mem>>)
      %scan3A_159 = arith.constant 0 : i32
      scf.yield %scan3A_159 : i32
    }
    %scan3A_30 = arith.constant 100 : i32
    %dma_wait3A = arith.constant 0 : i32
    %dma_wait3A_31 = arith.constant 0 : i32
    %dma_wait3A_32 = arith.constant 0 : i32
    %dma_wait3A_33 = arith.constant 0 : i32
    %dma_wait3A_34 = tpu.memref_slice %arg8[%dma_wait3A_31, %dma_wait3A_32, %dma_wait3A_33] : memref<8x8x129xf32, #tpu.memory_space<vmem>> -> memref<8x8x128xf32, #tpu.memory_space<vmem>>
    %dma_wait3A_35 = arith.constant 0 : i32
    %dma_wait3A_36 = arith.constant 0 : i32
    %dma_wait3A_37 = arith.constant 0 : i32
    %dma_wait3A_38 = tpu.memref_slice %arg4[%dma_wait3A, %dma_wait3A_35, %add3A, %dma_wait3A_36, %dma_wait3A_37] : memref<200x8x32x8x128xf32, #tpu.memory_space<hbm>> -> memref<1x8x1x8x128xf32, #tpu.memory_space<hbm>>
    %dma_wait3A_39 = tpu.memref_squeeze %dma_wait3A_38 : memref<1x8x1x8x128xf32, #tpu.memory_space<hbm>> -> memref<8x8x128xf32, #tpu.memory_space<hbm>>
    %dma_wait3A_40 = arith.constant 0 : i32
    %dma_wait3A_41 = arith.constant 0 : i32
    %dma_wait3A_42 = arith.constant 0 : i32
    %dma_wait3A_43 = tpu.memref_slice %arg8[%dma_wait3A_40, %dma_wait3A_41, %dma_wait3A_42] : memref<8x8x129xf32, #tpu.memory_space<vmem>> -> memref<8x8x128xf32, #tpu.memory_space<vmem>>
    %dma_wait3A_44 = arith.constant 0 : i32
    %dma_wait3A_45 = arith.constant 0 : i32
    %dma_wait3A_46 = arith.constant 0 : i32
    %dma_wait3A_47 = tpu.memref_slice %arg4[%dma_wait3A, %dma_wait3A_44, %add3A, %dma_wait3A_45, %dma_wait3A_46] : memref<200x8x32x8x128xf32, #tpu.memory_space<hbm>> -> memref<1x8x1x8x128xf32, #tpu.memory_space<hbm>>
    %dma_wait3A_48 = tpu.memref_squeeze %dma_wait3A_47 : memref<1x8x1x8x128xf32, #tpu.memory_space<hbm>> -> memref<8x8x128xf32, #tpu.memory_space<hbm>>
    tpu.wait_dma2 semaphore(%arg12 : memref<!tpu.dma_semaphore, #tpu.memory_space<semaphore_mem>>) src(%dma_wait3A_48 : memref<8x8x128xf32, #tpu.memory_space<hbm>>) dst(%dma_wait3A_43 : memref<8x8x128xf32, #tpu.memory_space<vmem>>)
    %dma_wait3A_49 = arith.constant 0 : i32
    %dma_wait3A_50 = arith.constant 0 : i32
    %dma_wait3A_51 = arith.constant 0 : i32
    %dma_wait3A_52 = arith.constant 0 : i32
    %dma_wait3A_53 = tpu.memref_slice %arg9[%dma_wait3A_50, %dma_wait3A_51, %dma_wait3A_52] : memref<8x8x129xf32, #tpu.memory_space<vmem>> -> memref<8x8x128xf32, #tpu.memory_space<vmem>>
    %dma_wait3A_54 = arith.constant 0 : i32
    %dma_wait3A_55 = arith.constant 0 : i32
    %dma_wait3A_56 = arith.constant 0 : i32
    %dma_wait3A_57 = tpu.memref_slice %arg4[%dma_wait3A_49, %dma_wait3A_54, %add3A, %dma_wait3A_55, %dma_wait3A_56] : memref<200x8x32x8x128xf32, #tpu.memory_space<hbm>> -> memref<1x8x1x8x128xf32, #tpu.memory_space<hbm>>
    %dma_wait3A_58 = tpu.memref_squeeze %dma_wait3A_57 : memref<1x8x1x8x128xf32, #tpu.memory_space<hbm>> -> memref<8x8x128xf32, #tpu.memory_space<hbm>>
    %dma_wait3A_59 = arith.constant 0 : i32
    %dma_wait3A_60 = arith.constant 0 : i32
    %dma_wait3A_61 = arith.constant 0 : i32
    %dma_wait3A_62 = tpu.memref_slice %arg9[%dma_wait3A_59, %dma_wait3A_60, %dma_wait3A_61] : memref<8x8x129xf32, #tpu.memory_space<vmem>> -> memref<8x8x128xf32, #tpu.memory_space<vmem>>
    %dma_wait3A_63 = arith.constant 0 : i32
    %dma_wait3A_64 = arith.constant 0 : i32
    %dma_wait3A_65 = arith.constant 0 : i32
    %dma_wait3A_66 = tpu.memref_slice %arg4[%dma_wait3A_49, %dma_wait3A_63, %add3A, %dma_wait3A_64, %dma_wait3A_65] : memref<200x8x32x8x128xf32, #tpu.memory_space<hbm>> -> memref<1x8x1x8x128xf32, #tpu.memory_space<hbm>>
    %dma_wait3A_67 = tpu.memref_squeeze %dma_wait3A_66 : memref<1x8x1x8x128xf32, #tpu.memory_space<hbm>> -> memref<8x8x128xf32, #tpu.memory_space<hbm>>
    tpu.wait_dma2 semaphore(%arg12 : memref<!tpu.dma_semaphore, #tpu.memory_space<semaphore_mem>>) src(%dma_wait3A_67 : memref<8x8x128xf32, #tpu.memory_space<hbm>>) dst(%dma_wait3A_62 : memref<8x8x128xf32, #tpu.memory_space<vmem>>)
    return
  }
}

module attributes {stable_mosaic.version = 14 : i64} {
  func.func @_retile_body(%arg0: i32, %arg1: memref<64x2048xf32, #tpu.memory_space<vmem>>, %arg2: memref<2048x128xf32, #tpu.memory_space<vmem>>) attributes {dimension_semantics = [#tpu.dimension_semantics<arbitrary>], iteration_bounds = array<i64: 489>, scalar_prefetch = 0 : i64, scratch_operands = 0 : i64, tpu.core_type = #tpu.core_type<tc>, window_params = [{transform_indices = @transform_0, window_bounds = array<i64: 64, 2048>}, {transform_indices = @transform_1, window_bounds = array<i64: 2048, 128>}]} {
    %get3A = arith.constant 0 : index
    %get3A_0 = arith.constant 0 : index
    %get3A_1 = vector.load %arg1[%get3A, %get3A_0] : memref<64x2048xf32, #tpu.memory_space<vmem>>, vector<64x2048xf32>
    %transpose3A = tpu.transpose %get3A_1, [1, 0] : vector<64x2048xf32> -> vector<2048x64xf32>
    %jit3A = arith.constant 0 : i32
    %convert_element_type3A = arith.sitofp %jit3A : i32 to f32
    %pad3A = vector.broadcast %convert_element_type3A : f32 to vector<2048x64xf32>
    %pad3A_2 = tpu.concatenate %transpose3A, %pad3A in 1 : vector<2048x64xf32>, vector<2048x64xf32> -> vector<2048x128xf32>
    %swap3A = arith.constant 0 : index
    %swap3A_3 = arith.constant 0 : index
    %swap3A_4 = vector.load %arg2[%swap3A, %swap3A_3] : memref<2048x128xf32, #tpu.memory_space<vmem>>, vector<2048x128xf32>
    tpu.vector_store %arg2[%swap3A, %swap3A_3], %pad3A_2 {strides = array<i32>} : memref<2048x128xf32, #tpu.memory_space<vmem>>, vector<2048x128xf32>,
    return
  }
  func.func @transform_0(%arg0: i32) -> (i32, i32) {
    %c0_i32 = arith.constant 0 : i32
    %c0_i32_0 = arith.constant 0 : i32
    return %c0_i32, %arg0 : i32, i32
  }
  func.func @transform_1(%arg0: i32) -> (i32, i32) {
    %c0_i32 = arith.constant 0 : i32
    %c0_i32_0 = arith.constant 0 : i32
    return %arg0, %c0_i32 : i32, i32
  }
}

</mosaic_0001>

<sc_bundles>
// kernel: kernel.4.cloned.1.call-start
scs
__scs_entry_jumppad:
0x0: {  	(pc) =	sbr.rel $0x88, $3  }
0x1: {  	(tag) =	ssettag $0x0;
	lr =	simm.s32 $0x1  }
0x2: {  	[smem:$0x3F9F] =	sst lr;
	_ =	strace $0xD0000000  }
0x3: {  	_ = 	snop  }
0x4: {  	_ = 	snop  }
0x5: {  	_ = 	snop  }
0x6: {  	_ = 	snop  }
0x7: {  	_ = 	snop  }
__scs_overlays_trampoline_lowered:
0x8: {  	[smem:$0x3FAE] =	sst s0  }
0x9: {  	[smem:$0x3FAF] =	sst s1  }
0xa: {  	[smem:$0x3FB0] =	sst s2  }
0xb: {  	[smem:$0x3FB1] =	sst s3  }
0xc: {  	[smem:$0x3FB2] =	sst s4  }
0xd: {  	[smem:$0x3FB3] =	sst s5  }
0xe: {  	[smem:$0x3FB4] =	sst s6  }
0xf: {  	[smem:$0x3FB5] =	sst s7  }
0x10: {  	[smem:$0x3FB6] =	sst s8  }
0x11: {  	[smem:$0x3FB7] =	sst s9;
	s0 =	simm.s32 @!p0 $0x0  }
0x12: {  	s1 =	sld [smem:$0x3F9D];
	s0 =	simm.s32 @p0 $0x1  }
0x13: {  	[smem:$0x3FB8] =	sst s0;
	s0 =	simm.s32 @!p1 $0x0  }
0x14: {  	s2 =	sld [smem:$0x3F9C];
	s0 =	simm.s32 @p1 $0x1  }
0x15: {  	[smem:$0x3FB9] =	sst s0;
	s0 =	simm.s32 @!p2 $0x0  }
0x16: {  	s3 =	sld [smem:$0x3FDB];
	s0 =	simm.s32 @p2 $0x1  }
0x17: {  	s4 =	simm.s32 $0x1BF5;
	[smem:$0x3FBB] =	sst s0  }
0x18: {  	s0 =	sld [smem:$0x3F9E];
	_ =	swait.ge [sflag:s4], $0x0  }
0x19: {  	s7 =	sld [smem:$0x3F9F]  }
0x1a: {  	s8 =	sadd.s32 $0xFFFFE003, lr  }
0x1b: {  	s9 =	sadd.s32 $0xFFFFFEF7, lr;
	s5 =	simm.s32 $0xFFFFFFFF;
	p2 =	slt.u32 s8, $0xFFFFF086  }
0x1c: {  	p1 =	slt.u32 s9, $0xF7A;
	s5 =	simm.s32 @!p2 $0x0  }
0x1d: {  	s5 =	simm.s32 @p1 $0x1;
	p0 =	seq.s32 s7, s2  }
0x1e: {  	s7 =	smul.u32 @!p0 $0xF7A, s2;
	p2 =	seq.s32 @!p0 s5, $0x0  }
0x1f: {  	s9 =	smul.u32 $0xF7A, s1;
	s8 =	simm.s32 @!p0 $0x1BF5;
	p2 =	por !p2, p0  }
0x20: {  	[sflag:s8] =	ssyncset.s32 @!p0 $0xFFFFF086;
	s6 =	sadd.s32 @!p0 s3, s7;
	s7 =	simm.s32 @!p0 $0x108  }
0x21: {  	s3 =	sadd.s32 s3, s9;
	s6 =	sadd.s32 @!p0 $0x88, s6;
	s7 =	simm.s32 @p2 $0x1082  }
0x22: {  	[simem:s7], [sflag:s8] =	dma.local @!p0 [hbm:s6], $0xF7A  }
0x23: {  	s9 =	sor.u32 $0xD0000000, s2;
	s6 =	simm.s32 $0x108;
	_ =	swait.ge @!p0 [sflag:s8], $0x0  }
0x24: {  	s3 =	sadd.s32 $0x88, s3;
	s6 =	simm.s32 @!p1 $0x1082;
	[sflag:s4] =	ssyncset.s32 $0xFFFFF086  }
0x25: {  	[simem:s6], [sflag:s4] =	dma.local [hbm:s3], $0xF7A  }
0x26: {  	[smem:$0x3F9F] =	sst s1;
	(tag) =	ssettag s2;
	_ =	strace s9  }
0x27: {  	s1 =	sld [smem:$0x3FAF]  }
0x28: {  	s2 =	sld [smem:$0x3FB0]  }
0x29: {  	s4 =	sld [smem:$0x3FB2]  }
0x2a: {  	p0 =	seq.s32 s5, $0x0;
	s5 =	sld [smem:$0x3FB3]  }
0x2b: {  	s6 =	sld [smem:$0x3FB4]  }
0x2c: {  	s7 =	sld [smem:$0x3FB5]  }
0x2d: {  	s3 =	simm.s32 $0x108;
	s8 =	sld [smem:$0x3FB6]  }
0x2e: {  	s3 =	simm.s32 @!p0 $0x1082;
	s9 =	sld [smem:$0x3FB7]  }
0x2f: {  	lr =	sadd.s32 s0, s3;
	s0 =	sld [smem:$0x3FAE]  }
0x30: {  	s3 =	sld [smem:$0x3FB1]  }
0x31: {  	[smem:$0x3FBA] =	sst s10  }
0x32: {  	s10 =	sld [smem:$0x3FB8];
	_ =	sdelay $0x3  }
0x33: {  	p0 =	seq.s32 s10, $0x1;
	s10 =	sld [smem:$0x3FBA];
	_ =	sdelay $0x3  }
0x34: {  	[smem:$0x3FBA] =	sst s10  }
0x35: {  	s10 =	sld [smem:$0x3FB9];
	_ =	sdelay $0x3  }
0x36: {  	p1 =	seq.s32 s10, $0x1;
	s10 =	sld [smem:$0x3FBA];
	_ =	sdelay $0x3  }
0x37: {  	[smem:$0x3FBA] =	sst s10  }
0x38: {  	s10 =	sld [smem:$0x3FBB]  }
0x39: {  	_ = 	snop;
	(pc) =	sbr.ind lr, $3  }
0x3a: {  	_ = 	snop  }
0x3b: {  	_ = 	snop  }
0x3c: {  	p2 =	seq.s32 s10, $0x1;
	s10 =	sld [smem:$0x3FBA]  }
0x3d: {  	_ =	shalt  }
0x3e: {  	_ =	shalt  }
0x3f: {  	_ =	shalt  }
0x40: {  	_ =	shalt  }
0x41: {  	_ =	shalt  }
0x42: {  	_ =	shalt  }
0x43: {  	_ =	shalt  }
0x44: {  	_ =	shalt  }
0x45: {  	_ =	shalt  }
0x46: {  	_ =	shalt  }
0x47: {  	_ =	shalt  }
0x48: {  	_ =	shalt  }
0x49: {  	_ =	shalt  }
0x4a: {  	_ =	shalt  }
0x4b: {  	_ =	shalt  }
0x4c: {  	_ =	shalt  }
0x4d: {  	_ =	shalt  }
0x4e: {  	_ =	shalt  }
0x4f: {  	_ =	shalt  }
0x50: {  	_ =	shalt  }
0x51: {  	_ =	shalt  }
0x52: {  	_ =	shalt  }
0x53: {  	_ =	shalt  }
0x54: {  	_ =	shalt  }
0x55: {  	_ =	shalt  }
0x56: {  	_ =	shalt  }
0x57: {  	_ =	shalt  }
0x58: {  	_ =	shalt  }
0x59: {  	_ =	shalt  }
0x5a: {  	_ =	shalt  }
0x5b: {  	_ =	shalt  }
0x5c: {  	_ =	shalt  }
0x5d: {  	_ =	shalt  }
0x5e: {  	_ =	shalt  }
0x5f: {  	_ =	shalt  }
0x60: {  	_ =	shalt  }
0x61: {  	_ =	shalt  }
0x62: {  	_ =	shalt  }
0x63: {  	_ =	shalt  }
0x64: {  	_ =	shalt  }
0x65: {  	_ =	shalt  }
0x66: {  	_ =	shalt  }
0x67: {  	_ =	shalt  }
0x68: {  	_ =	shalt  }
0x69: {  	_ =	shalt  }
0x6a: {  	_ =	shalt  }
0x6b: {  	_ =	shalt  }
0x6c: {  	_ =	shalt  }
0x6d: {  	_ =	shalt  }
0x6e: {  	_ =	shalt  }
0x6f: {  	_ =	shalt  }
0x70: {  	_ =	shalt  }
0x71: {  	_ =	shalt  }
0x72: {  	_ =	shalt  }
0x73: {  	_ =	shalt  }
0x74: {  	_ =	shalt  }
0x75: {  	_ =	shalt  }
0x76: {  	_ =	shalt  }
0x77: {  	_ =	shalt  }
0x78: {  	_ =	shalt  }
0x79: {  	_ =	shalt  }
0x7a: {  	_ =	shalt  }
0x7b: {  	_ =	shalt  }
0x7c: {  	_ =	shalt  }
0x7d: {  	_ =	shalt  }
0x7e: {  	_ =	shalt  }
0x7f: {  	_ =	shalt  }
0x80: {  	_ =	shalt  }
0x81: {  	_ =	shalt  }
0x82: {  	_ =	shalt  }
0x83: {  	_ =	shalt  }
0x84: {  	_ =	shalt  }
0x85: {  	_ =	shalt  }
0x86: {  	_ =	shalt  }
0x87: {  	_ =	shalt  }
.Lfunc_end0:
.L_simem_size_0:
called_computation_lowered:
.L_overlay_start_0:
0x88: {  	s2 =	sld [smem:$0x3FD9]  }
0x89: {  	s3 =	sld [smem:$0x3FFE];
	_ =	sdelay $0x1  }
0x8a: {  	s1 =	srdreg.scid  }
0x8b: {  	s0 =	sand.u32 $0x1, s1  }
0x8c: {  	s17 =	sshll.u32 s0, $0xA;
	s2 =	sadd.s32 s3, s2  }
0x8d: {  	s2 =	sadd.s32 s2, s17  }
0x8e: {  	[smem:$0x3FC6] =	sst s2  }
0x8f: {  	_ = 	snop  }
0x90: {  	s2 =	sld [smem:$0x3FD0];
	(tm) =	ssettm $0x1  }
0x91: {  	s18 =	sld [smem:$0x3FFB];
	_ =	sdelay $0x3  }
0x92: {  	_ =	strace s18  }
0x93: {  	s3 =	sld [smem:$0x3FFC];
	_ =	sdelay $0x3  }
0x94: {  	_ =	strace s3  }
0x95: {  	s3 =	sld [smem:$0x3FFD];
	_ =	sdelay $0x3  }
0x96: {  	_ =	strace s3  }
0x97: {  	_ =	strace $0x8FFFFFFF  }
0x98: {  	s19 =	sld [smem:$0x3FDB];
	_ =	sdelay $0x1  }
0x99: {  	s4 =	simm.s32 $_scs_section_size  }
0x9a: {  	s5 =	simm.s32 $_size__tile_overlayer_lowered;
	s6 =	simm.s32 $_tile_overlayer_lowered  }
0x9b: {  	s22 =	simm.s32 $0x1BFF;
	s21 =	sshll.u32 s6, $0x1;
	s3 =	sadd.s32 s4, s19  }
0x9c: {  	s7 =	simm.s32 $0x0;
	s20 =	sshll.u32 s5, $0x1;
	s5 =	sadd.s32 s21, s3  }
0x9d: {  	[timem:s7], [sflag:s22] =	dma.local [hbm:s5], s20  }
0x9e: {  	_ =	swait.ge [sflag:s22], s20  }
0x9f: {  	s4 =	ssub.s32 $0x0, s20;
	[sflag:s22] =	ssyncset.done $0x0  }
0xa0: {  	[sflag:s22] =	ssyncadd.s32 s4;
	_ =	sdelay $0x1  }
0xa1: {  	s23 =	simm.s32 $0x1B8B  }
0xa2: {  	_ =	swait.ge [sflag:s23], $0x1  }
0xa3: {  	[sflag:s23] =	ssyncset.done $0x0  }
0xa4: {  	s25 =	simm.s32 $0x1B8E;
	s24 =	sld [smem:$0x3FFE];
	[sflag:s23] =	ssyncadd.s32 $0xFFFFFFFF  }
0xa5: {  	s26 =	simm.s32 $execute0_lowered;
	[smem:$0x3FD2] =	sst s25  }
0xa6: {  	s5 =	sshll.u32 s26, $0x1;
	_ =	strace $0x80000046;
	[dreg:$0x1] =	wrdreg $0xFFFFFFFF  }
0xa7: {  	s28 =	simm.s32 $_size_execute0_lowered;
	s3 =	sadd.s32 s3, s5;
	[dreg:$0x0] =	wrdreg $0x0  }
0xa8: {  	s5 =	sshll.u32 s28, $0x1;
	[dreg:$0x2] =	wrdreg s3  }
0xa9: {  	[dreg:$0x3] =	wrdreg s5  }
0xaa: {  	[dreg:$0x4] =	wrdreg $0xC0  }
0xab: {  	_ =	task [dreg:s7], $0x5FFFF  }
0xac: {  	[dreg:$0x1] =	wrdreg $0xFFFFFFFF  }
0xad: {  	[dreg:$0x0] =	wrdreg $0x60  }
0xae: {  	[dreg:$0x2] =	wrdreg s24  }
0xaf: {  	[dreg:$0x3] =	wrdreg s2  }
0xb0: {  	[dreg:$0x4] =	wrdreg $0x9  }
0xb1: {  	_ =	task.clear_ibuf [dreg:s7], $0x5FFFF;
	_ =	strace $0x90000046  }
0xb2: {  	s29 =	simm.s32 $0x9;
	_ =	strace $0x80000048  }
0xb3: {  	_ =	swait.ge [sflag:s29], $0x1  }
0xb4: {  	[sflag:s29] =	ssyncadd.s32 $0xFFFFFFFF  }
0xb5: {  	_ =	strace $0x90000048  }
0xb6: {  	_ =	sfence  }
0xb7: {  	s30 =	sld [smem:$0x0];
	_ =	sdelay $0x2  }
0xb8: {  	s31 =	sshll.u32 s1, $0xD;
	s1 =	sshrl.u32 s1, $0x2  }
0xb9: {  	s3 =	sand.u32 $0x4000, s31;
	s1 =	sadd.s32 s1, s30  }
0xba: {  	s0 =	sor.u32 s3, s0;
	s1 =	sshll.u32 s1, $0x11  }
0xbb: {  	s0 =	sor.u32 s1, s0  }
0xbc: {  	s0 =	sadd.s32 $0x8F2B, s0  }
0xbd: {  	[sflag:s0] =	ssyncadd.remote.s32 $0x1  }
0xbe: {  	_ =	sfence.sel $0xFFFF  }
0xbf: {  	[dreg:$0x0] =	wrdreg $0xFFFFFFFF;
	(pc) =	sbr.abs _section_cstart, $3  }
0xc0: {  	[dreg:$0x1] =	wrdreg $0xFFFFFFFF  }
0xc1: {  	_ =	task.clear_ibuf [dreg:s7], $0x2FFFF;
	_ =	strace $0x9FFFFFFF  }
0xc2: {  	(tm) =	ssettm $0x7FFFFFFF  }
0xc3: {  	_ =	shalt  }
tec
execute0_lowered:
.L_overlay_start_1:
0x0: {  	(tag) =	ssettag $0x1  }
0x1: {  	s4 =	rddreg [dreg:$0x0]  }
0x2: {  	s2 =	rddreg [dreg:$0x1]  }
0x3: {  	s0 =	rddreg [dreg:$0x2];
	s5 =	srdreg.scid  }
0x4: {  	s1 =	stileid.u32;
	s3 =	simm.s32 $0x0;
	s9 =	simm.s32 $0x1000  }
0x5: {  	s10 =	simm.s32 $0x4;
	s11 =	simm.s32 $0x6400;
	s12 =	simm.s32 $0xA400  }
0x6: {  	s13 =	simm.s32 $0x1;
	s14 =	simm.s32 $0xE400;
	s15 =	simm.s32 $0x2  }
0x7: {  	s16 =	simm.s32 $0x3;
	s17 =	simm.s32 $0x10600;
	s18 =	simm.s32 $0x0  }
0x8: {  	s5 =	sand.u32 $0x1, s5;
	s6 =	sshll.u32 s1, $0x1;
	[smem:$0x7FF] =	sst s3  }
0x9: {  	v0 =	vlaneseq.u32;
	s6 =	sor.u32 s5, s6;
	_ =	strace $0x80000047;
	s5 =	ssub.s32 $0x2, s5  }
0xa: {  	v0 =	vmul.u32 $0x88, v0;
	s7 =	sshll.u32 s6, $0x4;
	s8 =	sshrl.u32 s5, $0x1;
	s6 =	sshll.u32 s6, $0xA  }
0xb: {  	s7 =	sadd.s32 s7, s4;
	s4 =	sadd.s32 $0x19400, s4;
	s8 =	ssub.s32 s5, s8  }
0xc: {  	v1 =	vadd.s32 $0x880, v0;
	v2 =	vadd.s32 $0x1100, v0;
	v3 =	vadd.s32 $0x1980, v0;
	s5 =	sadd.s32 $0x400, s7;
	s7 =	smax.u32 s8, $0x1;
	s8 =	simm.s32 $0x80  }
.LBB2_1:
0xd: {  	[tilespmem:s3], [sflag:$0x4] =	stream.strided.gather [hbm4b:s5+s8], $0x6400, s9, s8, $0x38;
	[tilespmem:$0x12800] =	vst v63  }
0xe: {  	_ =	swait.ge [sflag:s10], $0x6400  }
0xf: {  	[sflag:s10] =	ssyncset.done $0x0  }
0x10: {  	s19 =	simm.s32 $0x0;
	[sflag:s10] =	ssyncadd.s32 $0xFFFF9C00  }
0x11: {  	[tilespmem:s11], [sflag:$0x1] =	stream.indirect.gather [hbm4b:s4+s8], $0x80, s3, s8, $0xb8;
	[tilespmem:$0x12800] =	vst v63  }
.LBB2_2:
0x12: {  	s20 =	sshllo.u32 s19, $0x1  }
0x13: {  	s21 =	sshll.u32 s20, $0x7  }
0x14: {  	s21 =	sand.u32 $0x3FFFFF80, s21  }
0x15: {  	[tilespmem:s12], [sflag:$0x2] =	stream.indirect.gather [hbm4b:s4+s8], $0x80, s21, s8, $0xb8;
	[tilespmem:$0x12800] =	vst v63  }
0x16: {  	_ =	swait.ge [sflag:s13], $0x4000  }
0x17: {  	p0 =	seq.s32 s19, $0x0;
	[sflag:s13] =	ssyncset.done $0x0  }
0x18: {  	s21 =	simm.s32 @!p0 $0x3;
	[sflag:s13] =	ssyncadd.s32 $0xFFFFC000  }
0x19: {  	_ =	swait.ge @!p0 [sflag:s21], $0x2000  }
0x1a: {  	[sflag:s21] =	ssyncset.done @!p0 $0x0  }
0x1b: {  	s22 =	simm.s32 $0x0;
	[sflag:s21] =	ssyncadd.s32 @!p0 $0xFFFFE000;
	s21 =	simm.s32 $0x6500  }
0x1c: {  	v4 =	vmov s22;
	v5 =	vld [tilespmem:s21+$0xFFFFFF00]  }
0x1d: {  	v4 =	vand.u32 $0x7C, v4  }
0x1e: {  	v6 =	vadd.s32 v0, v4;
	_ =	sdelay $0x2  }
0x1f: {  	v5 =	vmul.f32 $8.000000000e+00, v5;
	_ =	sdelay $0x1  }
0x20: {  	[tilespmem:v6+s14+$0x0] =	vst.idx.msk $0xffff, v5  }
0x21: {  	v5 =	vld [tilespmem:s21+$0xFFFFFF10];
	_ =	sdelay $0x1  }
0x22: {  	v6 =	vadd.s32 v1, v4;
	_ =	sdelay $0x2  }
0x23: {  	v5 =	vmul.f32 $8.000000000e+00, v5;
	_ =	sdelay $0x1  }
0x24: {  	[tilespmem:v6+s14+$0x0] =	vst.idx.msk $0xffff, v5  }
0x25: {  	v5 =	vld [tilespmem:s21+$0xFFFFFF20];
	_ =	sdelay $0x1  }
0x26: {  	v6 =	vadd.s32 v2, v4;
	_ =	sdelay $0x2  }
0x27: {  	v5 =	vmul.f32 $8.000000000e+00, v5;
	_ =	sdelay $0x1  }
0x28: {  	[tilespmem:v6+s14+$0x0] =	vst.idx.msk $0xffff, v5  }
0x29: {  	v5 =	vld [tilespmem:s21+$0xFFFFFF30];
	_ =	sdelay $0x1  }
0x2a: {  	v4 =	vadd.s32 v3, v4;
	_ =	sdelay $0x2  }
0x2b: {  	v5 =	vmul.f32 $8.000000000e+00, v5;
	_ =	sdelay $0x1  }
0x2c: {  	s29 =	simm.s32 $0x1;
	[tilespmem:v4+s14+$0x0] =	vst.idx.msk $0xffff, v5  }
0x2d: {  	v4 =	vmov s29;
	v5 =	vld [tilespmem:s21+$0xFFFFFF80]  }
0x2e: {  	v4 =	vand.u32 $0x7D, v4  }
0x2f: {  	v6 =	vadd.s32 v0, v4;
	_ =	sdelay $0x2  }
0x30: {  	v5 =	vmul.f32 $8.000000000e+00, v5;
	_ =	sdelay $0x1  }
0x31: {  	[tilespmem:v6+s14+$0x0] =	vst.idx.msk $0xffff, v5  }
0x32: {  	v5 =	vld [tilespmem:s21+$0xFFFFFF90];
	_ =	sdelay $0x1  }
0x33: {  	v6 =	vadd.s32 v1, v4;
	_ =	sdelay $0x2  }
0x34: {  	v5 =	vmul.f32 $8.000000000e+00, v5;
	_ =	sdelay $0x1  }
0x35: {  	[tilespmem:v6+s14+$0x0] =	vst.idx.msk $0xffff, v5  }
0x36: {  	v5 =	vld [tilespmem:s21+$0xFFFFFFA0];
	_ =	sdelay $0x1  }
0x37: {  	v6 =	vadd.s32 v2, v4;
	_ =	sdelay $0x2  }
0x38: {  	v5 =	vmul.f32 $8.000000000e+00, v5;
	_ =	sdelay $0x1  }
0x39: {  	[tilespmem:v6+s14+$0x0] =	vst.idx.msk $0xffff, v5  }
0x3a: {  	v5 =	vld [tilespmem:s21+$0xFFFFFFB0];
	_ =	sdelay $0x1  }
0x3b: {  	v4 =	vadd.s32 v3, v4;
	_ =	sdelay $0x2  }
0x3c: {  	v5 =	vmul.f32 $8.000000000e+00, v5;
	_ =	sdelay $0x1  }
0x3d: {  	s30 =	simm.s32 $0x2;
	[tilespmem:v4+s14+$0x0] =	vst.idx.msk $0xffff, v5  }
0x3e: {  	v4 =	vmov s30;
	v5 =	vld [tilespmem:s21+$0x0]  }
0x3f: {  	v4 =	vand.u32 $0x7E, v4  }
0x40: {  	v6 =	vadd.s32 v0, v4;
	_ =	sdelay $0x2  }
0x41: {  	v5 =	vmul.f32 $8.000000000e+00, v5;
	_ =	sdelay $0x1  }
0x42: {  	[tilespmem:v6+s14+$0x0] =	vst.idx.msk $0xffff, v5  }
0x43: {  	v5 =	vld [tilespmem:s21+$0x10];
	_ =	sdelay $0x1  }
0x44: {  	v6 =	vadd.s32 v1, v4;
	_ =	sdelay $0x2  }
0x45: {  	v5 =	vmul.f32 $8.000000000e+00, v5;
	_ =	sdelay $0x1  }
0x46: {  	[tilespmem:v6+s14+$0x0] =	vst.idx.msk $0xffff, v5  }
0x47: {  	v5 =	vld [tilespmem:s21+$0x20];
	_ =	sdelay $0x1  }
0x48: {  	v6 =	vadd.s32 v2, v4;
	_ =	sdelay $0x2  }
0x49: {  	v5 =	vmul.f32 $8.000000000e+00, v5;
	_ =	sdelay $0x1  }
0x4a: {  	[tilespmem:v6+s14+$0x0] =	vst.idx.msk $0xffff, v5  }
0x4b: {  	v5 =	vld [tilespmem:s21+$0x30];
	_ =	sdelay $0x1  }
0x4c: {  	v4 =	vadd.s32 v3, v4;
	_ =	sdelay $0x2  }
0x4d: {  	v5 =	vmul.f32 $8.000000000e+00, v5;
	_ =	sdelay $0x1  }
0x4e: {  	s31 =	simm.s32 $0x3;
	[tilespmem:v4+s14+$0x0] =	vst.idx.msk $0xffff, v5  }
0x4f: {  	v4 =	vmov s31;
	v5 =	vld [tilespmem:s21+$0x80]  }
0x50: {  	v4 =	vand.u32 $0x7F, v4  }
0x51: {  	v6 =	vadd.s32 v0, v4;
	_ =	sdelay $0x2  }
0x52: {  	v5 =	vmul.f32 $8.000000000e+00, v5;
	_ =	sdelay $0x1  }
0x53: {  	[tilespmem:v6+s14+$0x0] =	vst.idx.msk $0xffff, v5  }
0x54: {  	v5 =	vld [tilespmem:s21+$0x90];
	_ =	sdelay $0x1  }
0x55: {  	v6 =	vadd.s32 v1, v4;
	_ =	sdelay $0x2  }
0x56: {  	v5 =	vmul.f32 $8.000000000e+00, v5;
	_ =	sdelay $0x1  }
0x57: {  	[tilespmem:v6+s14+$0x0] =	vst.idx.msk $0xffff, v5  }
0x58: {  	v5 =	vld [tilespmem:s21+$0xA0];
	_ =	sdelay $0x1  }
0x59: {  	v6 =	vadd.s32 v2, v4;
	_ =	sdelay $0x2  }
0x5a: {  	v5 =	vmul.f32 $8.000000000e+00, v5;
	_ =	sdelay $0x1  }
0x5b: {  	[tilespmem:v6+s14+$0x0] =	vst.idx.msk $0xffff, v5  }
0x5c: {  	v5 =	vld [tilespmem:s21+$0xB0];
	_ =	sdelay $0x1  }
0x5d: {  	v4 =	vadd.s32 v3, v4;
	_ =	sdelay $0x2  }
0x5e: {  	s22 =	simm.s32 $0x4;
	v5 =	vmul.f32 $8.000000000e+00, v5  }
.LBB2_3:
0x5f: {  	p1 =	slt.u32 s22, $0x7C  }
0x60: {  	s21 =	sadd.s32 $0x200, s21;
	s23 =	smov.u32 s22;
	s22 =	sadd.s32 $0x4, s22;
	[tilespmem:v4+s14+$0x0] =	vst.idx.msk $0xffff, v5  }
0x61: {  	v4 =	vmov s23;
	v5 =	vld [tilespmem:s21+$0xFFFFFF00]  }
0x62: {  	v4 =	vand.u32 $0x7C, v4  }
0x63: {  	v6 =	vadd.s32 v0, v4;
	_ =	sdelay $0x2  }
0x64: {  	v5 =	vmul.f32 $8.000000000e+00, v5;
	_ =	sdelay $0x1  }
0x65: {  	[tilespmem:v6+s14+$0x0] =	vst.idx.msk $0xffff, v5  }
0x66: {  	v5 =	vld [tilespmem:s21+$0xFFFFFF10];
	_ =	sdelay $0x1  }
0x67: {  	v6 =	vadd.s32 v1, v4;
	_ =	sdelay $0x2  }
0x68: {  	v5 =	vmul.f32 $8.000000000e+00, v5;
	_ =	sdelay $0x1  }
0x69: {  	[tilespmem:v6+s14+$0x0] =	vst.idx.msk $0xffff, v5  }
0x6a: {  	v5 =	vld [tilespmem:s21+$0xFFFFFF20];
	_ =	sdelay $0x1  }
0x6b: {  	v6 =	vadd.s32 v2, v4;
	_ =	sdelay $0x2  }
0x6c: {  	v5 =	vmul.f32 $8.000000000e+00, v5;
	_ =	sdelay $0x1  }
0x6d: {  	[tilespmem:v6+s14+$0x0] =	vst.idx.msk $0xffff, v5  }
0x6e: {  	v5 =	vld [tilespmem:s21+$0xFFFFFF30];
	_ =	sdelay $0x1  }
0x6f: {  	v4 =	vadd.s32 v3, v4;
	_ =	sdelay $0x2  }
0x70: {  	v5 =	vmul.f32 $8.000000000e+00, v5;
	_ =	sdelay $0x1  }
0x71: {  	s24 =	sadd.s32 $0x1, s23;
	[tilespmem:v4+s14+$0x0] =	vst.idx.msk $0xffff, v5  }
0x72: {  	v4 =	vmov s24;
	v5 =	vld [tilespmem:s21+$0xFFFFFF80]  }
0x73: {  	v4 =	vand.u32 $0x7D, v4  }
0x74: {  	v6 =	vadd.s32 v0, v4;
	_ =	sdelay $0x2  }
0x75: {  	v5 =	vmul.f32 $8.000000000e+00, v5;
	_ =	sdelay $0x1  }
0x76: {  	[tilespmem:v6+s14+$0x0] =	vst.idx.msk $0xffff, v5  }
0x77: {  	v5 =	vld [tilespmem:s21+$0xFFFFFF90];
	_ =	sdelay $0x1  }
0x78: {  	v6 =	vadd.s32 v1, v4;
	_ =	sdelay $0x2  }
0x79: {  	v5 =	vmul.f32 $8.000000000e+00, v5;
	_ =	sdelay $0x1  }
0x7a: {  	[tilespmem:v6+s14+$0x0] =	vst.idx.msk $0xffff, v5  }
0x7b: {  	v5 =	vld [tilespmem:s21+$0xFFFFFFA0];
	_ =	sdelay $0x1  }
0x7c: {  	v6 =	vadd.s32 v2, v4;
	_ =	sdelay $0x2  }
0x7d: {  	v5 =	vmul.f32 $8.000000000e+00, v5;
	_ =	sdelay $0x1  }
0x7e: {  	[tilespmem:v6+s14+$0x0] =	vst.idx.msk $0xffff, v5  }
0x7f: {  	v5 =	vld [tilespmem:s21+$0xFFFFFFB0];
	_ =	sdelay $0x1  }
0x80: {  	v4 =	vadd.s32 v3, v4;
	_ =	sdelay $0x2  }
0x81: {  	v5 =	vmul.f32 $8.000000000e+00, v5;
	_ =	sdelay $0x1  }
0x82: {  	s24 =	sadd.s32 $0x2, s23;
	[tilespmem:v4+s14+$0x0] =	vst.idx.msk $0xffff, v5  }
0x83: {  	v4 =	vmov s24;
	v5 =	vld [tilespmem:s21+$0x0]  }
0x84: {  	v4 =	vand.u32 $0x7E, v4  }
0x85: {  	v6 =	vadd.s32 v0, v4;
	_ =	sdelay $0x2  }
0x86: {  	v5 =	vmul.f32 $8.000000000e+00, v5;
	_ =	sdelay $0x1  }
0x87: {  	[tilespmem:v6+s14+$0x0] =	vst.idx.msk $0xffff, v5  }
0x88: {  	v5 =	vld [tilespmem:s21+$0x10];
	_ =	sdelay $0x1  }
0x89: {  	v6 =	vadd.s32 v1, v4;
	_ =	sdelay $0x2  }
0x8a: {  	v5 =	vmul.f32 $8.000000000e+00, v5;
	_ =	sdelay $0x1  }
0x8b: {  	[tilespmem:v6+s14+$0x0] =	vst.idx.msk $0xffff, v5  }
0x8c: {  	v5 =	vld [tilespmem:s21+$0x20];
	_ =	sdelay $0x1  }
0x8d: {  	v6 =	vadd.s32 v2, v4;
	_ =	sdelay $0x2  }
0x8e: {  	v5 =	vmul.f32 $8.000000000e+00, v5;
	_ =	sdelay $0x1  }
0x8f: {  	[tilespmem:v6+s14+$0x0] =	vst.idx.msk $0xffff, v5  }
0x90: {  	v5 =	vld [tilespmem:s21+$0x30];
	_ =	sdelay $0x1  }
0x91: {  	v4 =	vadd.s32 v3, v4;
	_ =	sdelay $0x2  }
0x92: {  	v5 =	vmul.f32 $8.000000000e+00, v5;
	_ =	sdelay $0x1  }
0x93: {  	s23 =	sadd.s32 $0x3, s23;
	[tilespmem:v4+s14+$0x0] =	vst.idx.msk $0xffff, v5  }
0x94: {  	v4 =	vmov s23;
	v5 =	vld [tilespmem:s21+$0x80]  }
0x95: {  	v4 =	vand.u32 $0x7F, v4  }
0x96: {  	v6 =	vadd.s32 v0, v4;
	_ =	sdelay $0x2  }
0x97: {  	v5 =	vmul.f32 $8.000000000e+00, v5;
	_ =	sdelay $0x1  }
0x98: {  	[tilespmem:v6+s14+$0x0] =	vst.idx.msk $0xffff, v5  }
0x99: {  	v5 =	vld [tilespmem:s21+$0x90];
	_ =	sdelay $0x1  }
0x9a: {  	v6 =	vadd.s32 v1, v4;
	_ =	sdelay $0x2  }
0x9b: {  	v5 =	vmul.f32 $8.000000000e+00, v5;
	_ =	sdelay $0x1  }
0x9c: {  	[tilespmem:v6+s14+$0x0] =	vst.idx.msk $0xffff, v5  }
0x9d: {  	v5 =	vld [tilespmem:s21+$0xA0];
	_ =	sdelay $0x1  }
0x9e: {  	v6 =	vadd.s32 v2, v4;
	_ =	sdelay $0x2  }
0x9f: {  	v5 =	vmul.f32 $8.000000000e+00, v5;
	_ =	sdelay $0x1  }
0xa0: {  	[tilespmem:v6+s14+$0x0] =	vst.idx.msk $0xffff, v5  }
0xa1: {  	v5 =	vld [tilespmem:s21+$0xB0]  }
.Ltmp0:
0xa2: {  	(pc) =	sbr.rel @p1 .LBB2_3-.Ltmp0, $2  }
0xa3: {  	v4 =	vadd.s32 v3, v4;
	_ =	sdelay $0x2  }
0xa4: {  	v5 =	vmul.f32 $8.000000000e+00, v5  }
0xa5: {  	_ = 	snop  }
0xa6: {  	s21 =	sshll.u32 s19, $0x13  }
0xa7: {  	s21 =	sor.u32 s6, s21  }
0xa8: {  	s21 =	sshrl.u32 s21, $0x3  }
0xa9: {  	s28 =	simm.s32 $0xE400;
	[tilespmem:v4+s14+$0x0] =	vst.idx.msk $0xffff, v5;
	s22 =	sadd.s32 s2, s21  }
0xaa: {  	[hbm4b:s22+s3] =	stream.linear.scatter [tilespmem:s28], [sflag:$0x3], $0x80, $0x38;
	[tilespmem:$0x12800] =	vst v63  }
0xab: {  	s29 =	simm.s32 $0xE488;
	s23 =	sadd.s32 $0x10, s22  }
0xac: {  	[hbm4b:s23+s3] =	stream.linear.scatter [tilespmem:s29], [sflag:$0x3], $0x80, $0x38;
	[tilespmem:$0x12800] =	vst v63  }
0xad: {  	s30 =	simm.s32 $0xE510;
	s25 =	simm.s32 $0xE620;
	s31 =	sadd.s32 $0x20, s22  }
0xae: {  	[hbm4b:s31+s3] =	stream.linear.scatter [tilespmem:s30], [sflag:$0x3], $0x80, $0x38;
	[tilespmem:$0x12800] =	vst v63  }
0xaf: {  	s21 =	simm.s32 $0x440;
	s24 =	sadd.s32 $0x30, s22;
	s23 =	simm.s32 $0xE598  }
0xb0: {  	[hbm4b:s24+s3] =	stream.linear.scatter [tilespmem:s23], [sflag:$0x3], $0x80, $0x38;
	[tilespmem:$0x12800] =	vst v63  }
0xb1: {  	s26 =	sadd.s32 $0x40, s22;
	s28 =	simm.s32 $0xE6A8;
	s29 =	sadd.s32 $0x50, s22  }
0xb2: {  	[hbm4b:s26+s3] =	stream.linear.scatter [tilespmem:s25], [sflag:$0x3], $0x80, $0x38;
	[tilespmem:$0x12800] =	vst v63  }
0xb3: {  	s30 =	simm.s32 $0xE730;
	s31 =	sadd.s32 $0x60, s22;
	s23 =	simm.s32 $0x2200  }
0xb4: {  	[hbm4b:s29+s3] =	stream.linear.scatter [tilespmem:s28], [sflag:$0x3], $0x80, $0x38;
	[tilespmem:$0x12800] =	vst v63  }
0xb5: {  	s24 =	simm.s32 $0xE7B8;
	s25 =	sadd.s32 $0x70, s22;
	s22 =	sadd.s32 $0x1000, s22  }
0xb6: {  	[hbm4b:s31+s3] =	stream.linear.scatter [tilespmem:s30], [sflag:$0x3], $0x80, $0x38;
	[tilespmem:$0x12800] =	vst v63  }
.LBB2_5:
0xb7: {  	[hbm4b:s25+s3] =	stream.linear.scatter [tilespmem:s24], [sflag:$0x3], $0x80, $0x38;
	[tilespmem:$0x12800] =	vst v63  }
0xb8: {  	s24 =	smov.u32 s21;
	s21 =	smov.u32 s23  }
0xb9: {  	s26 =	sadd.s32 $0x1100, s23;
	s21 =	sshra.s32 s21, $0x2;
	s25 =	sadd.s32 $0xE400, s24  }
0xba: {  	[hbm4b:s22+s3] =	stream.linear.scatter [tilespmem:s25], [sflag:$0x3], $0x80, $0x38;
	[tilespmem:$0x12800] =	vst v63  }
0xbb: {  	p1 =	sne.s32 s23, $0x7700;
	s23 =	sadd.s32 $0xE488, s24;
	s25 =	sadd.s32 $0x10, s22  }
0xbc: {  	[hbm4b:s25+s3] =	stream.linear.scatter [tilespmem:s23], [sflag:$0x3], $0x80, $0x38;
	[tilespmem:$0x12800] =	vst v63  }
0xbd: {  	s23 =	sadd.s32 $0xE510, s24;
	s25 =	sadd.s32 $0x20, s22  }
0xbe: {  	[hbm4b:s25+s3] =	stream.linear.scatter [tilespmem:s23], [sflag:$0x3], $0x80, $0x38;
	[tilespmem:$0x12800] =	vst v63  }
0xbf: {  	s23 =	sadd.s32 $0xE598, s24;
	s25 =	sadd.s32 $0x30, s22  }
0xc0: {  	[hbm4b:s25+s3] =	stream.linear.scatter [tilespmem:s23], [sflag:$0x3], $0x80, $0x38;
	[tilespmem:$0x12800] =	vst v63  }
0xc1: {  	s23 =	sadd.s32 $0xE620, s24;
	s25 =	sadd.s32 $0x40, s22  }
0xc2: {  	[hbm4b:s25+s3] =	stream.linear.scatter [tilespmem:s23], [sflag:$0x3], $0x80, $0x38;
	[tilespmem:$0x12800] =	vst v63  }
.Ltmp1:
0xc3: {  	s23 =	sadd.s32 $0xE6A8, s24;
	s25 =	sadd.s32 $0x50, s22;
	(pc) =	sbr.rel @p1 .LBB2_5-.Ltmp1, $4  }
0xc4: {  	[hbm4b:s25+s3] =	stream.linear.scatter [tilespmem:s23], [sflag:$0x3], $0x80, $0x38;
	[tilespmem:$0x12800] =	vst v63  }
0xc5: {  	s23 =	sadd.s32 $0xE730, s24;
	s25 =	sadd.s32 $0x60, s22;
	s24 =	sadd.s32 $0xE7B8, s24  }
0xc6: {  	[hbm4b:s25+s3] =	stream.linear.scatter [tilespmem:s23], [sflag:$0x3], $0x80, $0x38;
	[tilespmem:$0x12800] =	vst v63  }
0xc7: {  	s25 =	sadd.s32 $0x70, s22;
	s22 =	sadd.s32 $0x1000, s22;
	s23 =	smov.u32 s26  }
0xc8: {  	[hbm4b:s25+s3] =	stream.linear.scatter [tilespmem:s24], [sflag:$0x3], $0x80, $0x38;
	[tilespmem:$0x12800] =	vst v63  }
0xc9: {  	s23 =	sadd.s32 $0xE400, s21  }
0xca: {  	[hbm4b:s22+s3] =	stream.linear.scatter [tilespmem:s23], [sflag:$0x3], $0x80, $0x38;
	[tilespmem:$0x12800] =	vst v63  }
0xcb: {  	s30 =	sadd.s32 $0xE488, s21;
	s31 =	sadd.s32 $0x10, s22  }
0xcc: {  	[hbm4b:s31+s3] =	stream.linear.scatter [tilespmem:s30], [sflag:$0x3], $0x80, $0x38;
	[tilespmem:$0x12800] =	vst v63  }
0xcd: {  	s25 =	sadd.s32 $0xE510, s21;
	s26 =	sadd.s32 $0x20, s22  }
0xce: {  	[hbm4b:s26+s3] =	stream.linear.scatter [tilespmem:s25], [sflag:$0x3], $0x80, $0x38;
	[tilespmem:$0x12800] =	vst v63  }
0xcf: {  	s28 =	sadd.s32 $0xE598, s21;
	s29 =	sadd.s32 $0x30, s22  }
0xd0: {  	[hbm4b:s29+s3] =	stream.linear.scatter [tilespmem:s28], [sflag:$0x3], $0x80, $0x38;
	[tilespmem:$0x12800] =	vst v63  }
0xd1: {  	s30 =	sadd.s32 $0xE620, s21;
	s31 =	sadd.s32 $0x40, s22  }
0xd2: {  	[hbm4b:s31+s3] =	stream.linear.scatter [tilespmem:s30], [sflag:$0x3], $0x80, $0x38;
	[tilespmem:$0x12800] =	vst v63  }
0xd3: {  	p1 =	sne.s32 s19, $0x63;
	s25 =	sadd.s32 $0xE6A8, s21;
	s26 =	sadd.s32 $0x50, s22  }
0xd4: {  	[hbm4b:s26+s3] =	stream.linear.scatter [tilespmem:s25], [sflag:$0x3], $0x80, $0x38;
	[tilespmem:$0x12800] =	vst v63  }
.Ltmp2:
0xd5: {  	_ = 	snop;
	(pc) =	sbr.rel @p1 .LBB2_8-.Ltmp2, $4  }
0xd6: {  	s28 =	sadd.s32 $0xE730, s21;
	s29 =	sadd.s32 $0x60, s22  }
0xd7: {  	[hbm4b:s29+s3] =	stream.linear.scatter [tilespmem:s28], [sflag:$0x3], $0x80, $0x38;
	[tilespmem:$0x12800] =	vst v63  }
0xd8: {  	s30 =	sadd.s32 $0xE7B8, s21;
	s31 =	sadd.s32 $0x70, s22  }
0xd9: {  	[hbm4b:s31+s3] =	stream.linear.scatter [tilespmem:s30], [sflag:$0x3], $0x80, $0x38;
	[tilespmem:$0x12800] =	vst v63  }
.Ltmp3:
0xda: {  	(pc) =	sbr.rel .LBB2_9-.Ltmp3, $4  }
0xdb: {  	_ = 	snop  }
0xdc: {  	_ =	swait.ge [sflag:s15], $0x4000  }
0xdd: {  	[sflag:s15] =	ssyncset.done $0x0  }
0xde: {  	[sflag:s15] =	ssyncadd.s32 $0xFFFFC000  }
.LBB2_8:
0xdf: {  	s21 =	sshll.u32 s19, $0x8  }
0xe0: {  	s21 =	sand.u32 $0x3FFFFF00, s21  }
.Ltmp4:
0xe1: {  	s21 =	sadd.s32 $0x100, s21;
	(pc) =	sbr.rel @p0 .LBB2_10-.Ltmp4, $4  }
0xe2: {  	[tilespmem:s11], [sflag:$0x1] =	stream.indirect.gather [hbm4b:s4+s8], $0x80, s21, s8, $0xb8;
	[tilespmem:$0x12800] =	vst v63  }
0xe3: {  	_ =	swait.ge [sflag:s15], $0x4000  }
0xe4: {  	[sflag:s15] =	ssyncset.done $0x0  }
0xe5: {  	[sflag:s15] =	ssyncadd.s32 $0xFFFFC000  }
.LBB2_9:
0xe6: {  	_ =	swait.ge [sflag:s16], $0x2000  }
0xe7: {  	[sflag:s16] =	ssyncset.done $0x0  }
0xe8: {  	[sflag:s16] =	ssyncadd.s32 $0xFFFFE000  }
.LBB2_10:
0xe9: {  	s22 =	simm.s32 $0x0;
	s21 =	simm.s32 $0xA500  }
0xea: {  	v4 =	vmov s22;
	v5 =	vld [tilespmem:s21+$0xFFFFFF00]  }
0xeb: {  	v4 =	vand.u32 $0x7C, v4  }
0xec: {  	v6 =	vadd.s32 v0, v4;
	_ =	sdelay $0x2  }
0xed: {  	v5 =	vmul.f32 $8.000000000e+00, v5;
	_ =	sdelay $0x1  }
0xee: {  	[tilespmem:v6+s17+$0x0] =	vst.idx.msk $0xffff, v5  }
0xef: {  	v5 =	vld [tilespmem:s21+$0xFFFFFF10];
	_ =	sdelay $0x1  }
0xf0: {  	v6 =	vadd.s32 v1, v4;
	_ =	sdelay $0x2  }
0xf1: {  	v5 =	vmul.f32 $8.000000000e+00, v5;
	_ =	sdelay $0x1  }
0xf2: {  	[tilespmem:v6+s17+$0x0] =	vst.idx.msk $0xffff, v5  }
0xf3: {  	v5 =	vld [tilespmem:s21+$0xFFFFFF20];
	_ =	sdelay $0x1  }
0xf4: {  	v6 =	vadd.s32 v2, v4;
	_ =	sdelay $0x2  }
0xf5: {  	v5 =	vmul.f32 $8.000000000e+00, v5;
	_ =	sdelay $0x1  }
0xf6: {  	[tilespmem:v6+s17+$0x0] =	vst.idx.msk $0xffff, v5  }
0xf7: {  	v5 =	vld [tilespmem:s21+$0xFFFFFF30];
	_ =	sdelay $0x1  }
0xf8: {  	v4 =	vadd.s32 v3, v4;
	_ =	sdelay $0x2  }
0xf9: {  	v5 =	vmul.f32 $8.000000000e+00, v5;
	_ =	sdelay $0x1  }
0xfa: {  	s29 =	simm.s32 $0x1;
	[tilespmem:v4+s17+$0x0] =	vst.idx.msk $0xffff, v5  }
0xfb: {  	v4 =	vmov s29;
	v5 =	vld [tilespmem:s21+$0xFFFFFF80]  }
0xfc: {  	v4 =	vand.u32 $0x7D, v4  }
0xfd: {  	v6 =	vadd.s32 v0, v4;
	_ =	sdelay $0x2  }
0xfe: {  	v5 =	vmul.f32 $8.000000000e+00, v5;
	_ =	sdelay $0x1  }
0xff: {  	[tilespmem:v6+s17+$0x0] =	vst.idx.msk $0xffff, v5  }
0x100: {  	v5 =	vld [tilespmem:s21+$0xFFFFFF90];
	_ =	sdelay $0x1  }
0x101: {  	v6 =	vadd.s32 v1, v4;
	_ =	sdelay $0x2  }
0x102: {  	v5 =	vmul.f32 $8.000000000e+00, v5;
	_ =	sdelay $0x1  }
0x103: {  	[tilespmem:v6+s17+$0x0] =	vst.idx.msk $0xffff, v5  }
0x104: {  	v5 =	vld [tilespmem:s21+$0xFFFFFFA0];
	_ =	sdelay $0x1  }
0x105: {  	v6 =	vadd.s32 v2, v4;
	_ =	sdelay $0x2  }
0x106: {  	v5 =	vmul.f32 $8.000000000e+00, v5;
	_ =	sdelay $0x1  }
0x107: {  	[tilespmem:v6+s17+$0x0] =	vst.idx.msk $0xffff, v5  }
0x108: {  	v5 =	vld [tilespmem:s21+$0xFFFFFFB0];
	_ =	sdelay $0x1  }
0x109: {  	v4 =	vadd.s32 v3, v4;
	_ =	sdelay $0x2  }
0x10a: {  	v5 =	vmul.f32 $8.000000000e+00, v5;
	_ =	sdelay $0x1  }
0x10b: {  	s30 =	simm.s32 $0x2;
	[tilespmem:v4+s17+$0x0] =	vst.idx.msk $0xffff, v5  }
0x10c: {  	v4 =	vmov s30;
	v5 =	vld [tilespmem:s21+$0x0]  }
0x10d: {  	v4 =	vand.u32 $0x7E, v4  }
0x10e: {  	v6 =	vadd.s32 v0, v4;
	_ =	sdelay $0x2  }
0x10f: {  	v5 =	vmul.f32 $8.000000000e+00, v5;
	_ =	sdelay $0x1  }
0x110: {  	[tilespmem:v6+s17+$0x0] =	vst.idx.msk $0xffff, v5  }
0x111: {  	v5 =	vld [tilespmem:s21+$0x10];
	_ =	sdelay $0x1  }
0x112: {  	v6 =	vadd.s32 v1, v4;
	_ =	sdelay $0x2  }
0x113: {  	v5 =	vmul.f32 $8.000000000e+00, v5;
	_ =	sdelay $0x1  }
0x114: {  	[tilespmem:v6+s17+$0x0] =	vst.idx.msk $0xffff, v5  }
0x115: {  	v5 =	vld [tilespmem:s21+$0x20];
	_ =	sdelay $0x1  }
0x116: {  	v6 =	vadd.s32 v2, v4;
	_ =	sdelay $0x2  }
0x117: {  	v5 =	vmul.f32 $8.000000000e+00, v5;
	_ =	sdelay $0x1  }
0x118: {  	[tilespmem:v6+s17+$0x0] =	vst.idx.msk $0xffff, v5  }
0x119: {  	v5 =	vld [tilespmem:s21+$0x30];
	_ =	sdelay $0x1  }
0x11a: {  	v4 =	vadd.s32 v3, v4;
	_ =	sdelay $0x2  }
0x11b: {  	v5 =	vmul.f32 $8.000000000e+00, v5;
	_ =	sdelay $0x1  }
0x11c: {  	s31 =	simm.s32 $0x3;
	[tilespmem:v4+s17+$0x0] =	vst.idx.msk $0xffff, v5  }
0x11d: {  	v4 =	vmov s31;
	v5 =	vld [tilespmem:s21+$0x80]  }
0x11e: {  	v4 =	vand.u32 $0x7F, v4  }
0x11f: {  	v6 =	vadd.s32 v0, v4;
	_ =	sdelay $0x2  }
0x120: {  	v5 =	vmul.f32 $8.000000000e+00, v5;
	_ =	sdelay $0x1  }
0x121: {  	[tilespmem:v6+s17+$0x0] =	vst.idx.msk $0xffff, v5  }
0x122: {  	v5 =	vld [tilespmem:s21+$0x90];
	_ =	sdelay $0x1  }
0x123: {  	v6 =	vadd.s32 v1, v4;
	_ =	sdelay $0x2  }
0x124: {  	v5 =	vmul.f32 $8.000000000e+00, v5;
	_ =	sdelay $0x1  }
0x125: {  	[tilespmem:v6+s17+$0x0] =	vst.idx.msk $0xffff, v5  }
0x126: {  	v5 =	vld [tilespmem:s21+$0xA0];
	_ =	sdelay $0x1  }
0x127: {  	v6 =	vadd.s32 v2, v4;
	_ =	sdelay $0x2  }
0x128: {  	v5 =	vmul.f32 $8.000000000e+00, v5;
	_ =	sdelay $0x1  }
0x129: {  	[tilespmem:v6+s17+$0x0] =	vst.idx.msk $0xffff, v5  }
0x12a: {  	v5 =	vld [tilespmem:s21+$0xB0];
	_ =	sdelay $0x1  }
0x12b: {  	v4 =	vadd.s32 v3, v4;
	_ =	sdelay $0x2  }
0x12c: {  	s22 =	simm.s32 $0x4;
	v5 =	vmul.f32 $8.000000000e+00, v5  }
.LBB2_11:
0x12d: {  	p0 =	slt.u32 s22, $0x7C  }
0x12e: {  	s21 =	sadd.s32 $0x200, s21;
	s23 =	smov.u32 s22;
	s22 =	sadd.s32 $0x4, s22;
	[tilespmem:v4+s17+$0x0] =	vst.idx.msk $0xffff, v5  }
0x12f: {  	v4 =	vmov s23;
	v5 =	vld [tilespmem:s21+$0xFFFFFF00]  }
0x130: {  	v4 =	vand.u32 $0x7C, v4  }
0x131: {  	v6 =	vadd.s32 v0, v4;
	_ =	sdelay $0x2  }
0x132: {  	v5 =	vmul.f32 $8.000000000e+00, v5;
	_ =	sdelay $0x1  }
0x133: {  	[tilespmem:v6+s17+$0x0] =	vst.idx.msk $0xffff, v5  }
0x134: {  	v5 =	vld [tilespmem:s21+$0xFFFFFF10];
	_ =	sdelay $0x1  }
0x135: {  	v6 =	vadd.s32 v1, v4;
	_ =	sdelay $0x2  }
0x136: {  	v5 =	vmul.f32 $8.000000000e+00, v5;
	_ =	sdelay $0x1  }
0x137: {  	[tilespmem:v6+s17+$0x0] =	vst.idx.msk $0xffff, v5  }
0x138: {  	v5 =	vld [tilespmem:s21+$0xFFFFFF20];
	_ =	sdelay $0x1  }
0x139: {  	v6 =	vadd.s32 v2, v4;
	_ =	sdelay $0x2  }
0x13a: {  	v5 =	vmul.f32 $8.000000000e+00, v5;
	_ =	sdelay $0x1  }
0x13b: {  	[tilespmem:v6+s17+$0x0] =	vst.idx.msk $0xffff, v5  }
0x13c: {  	v5 =	vld [tilespmem:s21+$0xFFFFFF30];
	_ =	sdelay $0x1  }
0x13d: {  	v4 =	vadd.s32 v3, v4;
	_ =	sdelay $0x2  }
0x13e: {  	v5 =	vmul.f32 $8.000000000e+00, v5;
	_ =	sdelay $0x1  }
0x13f: {  	s24 =	sadd.s32 $0x1, s23;
	[tilespmem:v4+s17+$0x0] =	vst.idx.msk $0xffff, v5  }
0x140: {  	v4 =	vmov s24;
	v5 =	vld [tilespmem:s21+$0xFFFFFF80]  }
0x141: {  	v4 =	vand.u32 $0x7D, v4  }
0x142: {  	v6 =	vadd.s32 v0, v4;
	_ =	sdelay $0x2  }
0x143: {  	v5 =	vmul.f32 $8.000000000e+00, v5;
	_ =	sdelay $0x1  }
0x144: {  	[tilespmem:v6+s17+$0x0] =	vst.idx.msk $0xffff, v5  }
0x145: {  	v5 =	vld [tilespmem:s21+$0xFFFFFF90];
	_ =	sdelay $0x1  }
0x146: {  	v6 =	vadd.s32 v1, v4;
	_ =	sdelay $0x2  }
0x147: {  	v5 =	vmul.f32 $8.000000000e+00, v5;
	_ =	sdelay $0x1  }
0x148: {  	[tilespmem:v6+s17+$0x0] =	vst.idx.msk $0xffff, v5  }
0x149: {  	v5 =	vld [tilespmem:s21+$0xFFFFFFA0];
	_ =	sdelay $0x1  }
0x14a: {  	v6 =	vadd.s32 v2, v4;
	_ =	sdelay $0x2  }
0x14b: {  	v5 =	vmul.f32 $8.000000000e+00, v5;
	_ =	sdelay $0x1  }
0x14c: {  	[tilespmem:v6+s17+$0x0] =	vst.idx.msk $0xffff, v5  }
0x14d: {  	v5 =	vld [tilespmem:s21+$0xFFFFFFB0];
	_ =	sdelay $0x1  }
0x14e: {  	v4 =	vadd.s32 v3, v4;
	_ =	sdelay $0x2  }
0x14f: {  	v5 =	vmul.f32 $8.000000000e+00, v5;
	_ =	sdelay $0x1  }
0x150: {  	s24 =	sadd.s32 $0x2, s23;
	[tilespmem:v4+s17+$0x0] =	vst.idx.msk $0xffff, v5  }
0x151: {  	v4 =	vmov s24;
	v5 =	vld [tilespmem:s21+$0x0]  }
0x152: {  	v4 =	vand.u32 $0x7E, v4  }
0x153: {  	v6 =	vadd.s32 v0, v4;
	_ =	sdelay $0x2  }
0x154: {  	v5 =	vmul.f32 $8.000000000e+00, v5;
	_ =	sdelay $0x1  }
0x155: {  	[tilespmem:v6+s17+$0x0] =	vst.idx.msk $0xffff, v5  }
0x156: {  	v5 =	vld [tilespmem:s21+$0x10];
	_ =	sdelay $0x1  }
0x157: {  	v6 =	vadd.s32 v1, v4;
	_ =	sdelay $0x2  }
0x158: {  	v5 =	vmul.f32 $8.000000000e+00, v5;
	_ =	sdelay $0x1  }
0x159: {  	[tilespmem:v6+s17+$0x0] =	vst.idx.msk $0xffff, v5  }
0x15a: {  	v5 =	vld [tilespmem:s21+$0x20];
	_ =	sdelay $0x1  }
0x15b: {  	v6 =	vadd.s32 v2, v4;
	_ =	sdelay $0x2  }
0x15c: {  	v5 =	vmul.f32 $8.000000000e+00, v5;
	_ =	sdelay $0x1  }
0x15d: {  	[tilespmem:v6+s17+$0x0] =	vst.idx.msk $0xffff, v5  }
0x15e: {  	v5 =	vld [tilespmem:s21+$0x30];
	_ =	sdelay $0x1  }
0x15f: {  	v4 =	vadd.s32 v3, v4;
	_ =	sdelay $0x2  }
0x160: {  	v5 =	vmul.f32 $8.000000000e+00, v5;
	_ =	sdelay $0x1  }
0x161: {  	s23 =	sadd.s32 $0x3, s23;
	[tilespmem:v4+s17+$0x0] =	vst.idx.msk $0xffff, v5  }
0x162: {  	v4 =	vmov s23;
	v5 =	vld [tilespmem:s21+$0x80]  }
0x163: {  	v4 =	vand.u32 $0x7F, v4  }
0x164: {  	v6 =	vadd.s32 v0, v4;
	_ =	sdelay $0x2  }
0x165: {  	v5 =	vmul.f32 $8.000000000e+00, v5;
	_ =	sdelay $0x1  }
0x166: {  	[tilespmem:v6+s17+$0x0] =	vst.idx.msk $0xffff, v5  }
0x167: {  	v5 =	vld [tilespmem:s21+$0x90];
	_ =	sdelay $0x1  }
0x168: {  	v6 =	vadd.s32 v1, v4;
	_ =	sdelay $0x2  }
0x169: {  	v5 =	vmul.f32 $8.000000000e+00, v5;
	_ =	sdelay $0x1  }
0x16a: {  	[tilespmem:v6+s17+$0x0] =	vst.idx.msk $0xffff, v5  }
0x16b: {  	v5 =	vld [tilespmem:s21+$0xA0];
	_ =	sdelay $0x1  }
0x16c: {  	v6 =	vadd.s32 v2, v4;
	_ =	sdelay $0x2  }
0x16d: {  	v5 =	vmul.f32 $8.000000000e+00, v5;
	_ =	sdelay $0x1  }
0x16e: {  	[tilespmem:v6+s17+$0x0] =	vst.idx.msk $0xffff, v5  }
0x16f: {  	v5 =	vld [tilespmem:s21+$0xB0]  }
.Ltmp5:
0x170: {  	(pc) =	sbr.rel @p0 .LBB2_11-.Ltmp5, $2  }
0x171: {  	v4 =	vadd.s32 v3, v4;
	_ =	sdelay $0x2  }
0x172: {  	v5 =	vmul.f32 $8.000000000e+00, v5  }
0x173: {  	_ = 	snop  }
0x174: {  	s20 =	sshll.u32 s20, $0x12  }
0x175: {  	s20 =	sor.u32 s6, s20  }
0x176: {  	s20 =	sshrl.u32 s20, $0x3  }
0x177: {  	s28 =	simm.s32 $0x10600;
	[tilespmem:v4+s17+$0x0] =	vst.idx.msk $0xffff, v5;
	s21 =	sadd.s32 s2, s20  }
0x178: {  	[hbm4b:s21+s3] =	stream.linear.scatter [tilespmem:s28], [sflag:$0x3], $0x80, $0x38;
	[tilespmem:$0x12800] =	vst v63  }
0x179: {  	s29 =	simm.s32 $0x10688;
	s22 =	sadd.s32 $0x10, s21  }
0x17a: {  	[hbm4b:s22+s3] =	stream.linear.scatter [tilespmem:s29], [sflag:$0x3], $0x80, $0x38;
	[tilespmem:$0x12800] =	vst v63  }
0x17b: {  	s30 =	simm.s32 $0x10710;
	s23 =	simm.s32 $0x10798;
	s31 =	sadd.s32 $0x20, s21  }
0x17c: {  	[hbm4b:s31+s3] =	stream.linear.scatter [tilespmem:s30], [sflag:$0x3], $0x80, $0x38;
	[tilespmem:$0x12800] =	vst v63  }
0x17d: {  	s25 =	simm.s32 $0x10820;
	s20 =	simm.s32 $0x440;
	s24 =	sadd.s32 $0x30, s21  }
0x17e: {  	[hbm4b:s24+s3] =	stream.linear.scatter [tilespmem:s23], [sflag:$0x3], $0x80, $0x38;
	[tilespmem:$0x12800] =	vst v63  }
0x17f: {  	s26 =	sadd.s32 $0x40, s21;
	s28 =	simm.s32 $0x108A8;
	s29 =	sadd.s32 $0x50, s21  }
0x180: {  	[hbm4b:s26+s3] =	stream.linear.scatter [tilespmem:s25], [sflag:$0x3], $0x80, $0x38;
	[tilespmem:$0x12800] =	vst v63  }
0x181: {  	s22 =	simm.s32 $0x2200;
	s30 =	simm.s32 $0x10930;
	s31 =	sadd.s32 $0x60, s21  }
0x182: {  	[hbm4b:s29+s3] =	stream.linear.scatter [tilespmem:s28], [sflag:$0x3], $0x80, $0x38;
	[tilespmem:$0x12800] =	vst v63  }
0x183: {  	s23 =	simm.s32 $0x109B8;
	s24 =	sadd.s32 $0x70, s21;
	s21 =	sadd.s32 $0x1000, s21  }
0x184: {  	[hbm4b:s31+s3] =	stream.linear.scatter [tilespmem:s30], [sflag:$0x3], $0x80, $0x38;
	[tilespmem:$0x12800] =	vst v63  }
.LBB2_13:
0x185: {  	[hbm4b:s24+s3] =	stream.linear.scatter [tilespmem:s23], [sflag:$0x3], $0x80, $0x38;
	[tilespmem:$0x12800] =	vst v63  }
0x186: {  	s23 =	smov.u32 s20;
	s20 =	smov.u32 s22  }
0x187: {  	s25 =	sadd.s32 $0x1100, s22;
	s20 =	sshra.s32 s20, $0x2;
	s24 =	sadd.s32 $0x10600, s23  }
0x188: {  	[hbm4b:s21+s3] =	stream.linear.scatter [tilespmem:s24], [sflag:$0x3], $0x80, $0x38;
	[tilespmem:$0x12800] =	vst v63  }
0x189: {  	p0 =	sne.s32 s22, $0x7700;
	s22 =	sadd.s32 $0x10688, s23;
	s24 =	sadd.s32 $0x10, s21  }
0x18a: {  	[hbm4b:s24+s3] =	stream.linear.scatter [tilespmem:s22], [sflag:$0x3], $0x80, $0x38;
	[tilespmem:$0x12800] =	vst v63  }
0x18b: {  	s22 =	sadd.s32 $0x10710, s23;
	s24 =	sadd.s32 $0x20, s21  }
0x18c: {  	[hbm4b:s24+s3] =	stream.linear.scatter [tilespmem:s22], [sflag:$0x3], $0x80, $0x38;
	[tilespmem:$0x12800] =	vst v63  }
0x18d: {  	s22 =	sadd.s32 $0x10798, s23;
	s24 =	sadd.s32 $0x30, s21  }
0x18e: {  	[hbm4b:s24+s3] =	stream.linear.scatter [tilespmem:s22], [sflag:$0x3], $0x80, $0x38;
	[tilespmem:$0x12800] =	vst v63  }
0x18f: {  	s22 =	sadd.s32 $0x10820, s23;
	s24 =	sadd.s32 $0x40, s21  }
0x190: {  	[hbm4b:s24+s3] =	stream.linear.scatter [tilespmem:s22], [sflag:$0x3], $0x80, $0x38;
	[tilespmem:$0x12800] =	vst v63  }
.Ltmp6:
0x191: {  	s22 =	sadd.s32 $0x108A8, s23;
	s24 =	sadd.s32 $0x50, s21;
	(pc) =	sbr.rel @p0 .LBB2_13-.Ltmp6, $4  }
0x192: {  	[hbm4b:s24+s3] =	stream.linear.scatter [tilespmem:s22], [sflag:$0x3], $0x80, $0x38;
	[tilespmem:$0x12800] =	vst v63  }
0x193: {  	s22 =	sadd.s32 $0x10930, s23;
	s24 =	sadd.s32 $0x60, s21;
	s23 =	sadd.s32 $0x109B8, s23  }
0x194: {  	[hbm4b:s24+s3] =	stream.linear.scatter [tilespmem:s22], [sflag:$0x3], $0x80, $0x38;
	[tilespmem:$0x12800] =	vst v63  }
0x195: {  	s24 =	sadd.s32 $0x70, s21;
	s21 =	sadd.s32 $0x1000, s21;
	s22 =	smov.u32 s25  }
0x196: {  	[hbm4b:s24+s3] =	stream.linear.scatter [tilespmem:s23], [sflag:$0x3], $0x80, $0x38;
	[tilespmem:$0x12800] =	vst v63  }
0x197: {  	s22 =	sadd.s32 $0x10600, s20  }
0x198: {  	[hbm4b:s21+s3] =	stream.linear.scatter [tilespmem:s22], [sflag:$0x3], $0x80, $0x38;
	[tilespmem:$0x12800] =	vst v63  }
0x199: {  	s25 =	sadd.s32 $0x10688, s20;
	s26 =	sadd.s32 $0x10, s21  }
0x19a: {  	[hbm4b:s26+s3] =	stream.linear.scatter [tilespmem:s25], [sflag:$0x3], $0x80, $0x38;
	[tilespmem:$0x12800] =	vst v63  }
0x19b: {  	s28 =	sadd.s32 $0x10710, s20;
	s29 =	sadd.s32 $0x20, s21  }
0x19c: {  	[hbm4b:s29+s3] =	stream.linear.scatter [tilespmem:s28], [sflag:$0x3], $0x80, $0x38;
	[tilespmem:$0x12800] =	vst v63  }
0x19d: {  	s30 =	sadd.s32 $0x10798, s20;
	s31 =	sadd.s32 $0x30, s21  }
0x19e: {  	[hbm4b:s31+s3] =	stream.linear.scatter [tilespmem:s30], [sflag:$0x3], $0x80, $0x38;
	[tilespmem:$0x12800] =	vst v63  }
0x19f: {  	s23 =	sadd.s32 $0x10820, s20;
	s24 =	sadd.s32 $0x40, s21;
	s19 =	sadd.s32 $0x1, s19  }
0x1a0: {  	[hbm4b:s24+s3] =	stream.linear.scatter [tilespmem:s23], [sflag:$0x3], $0x80, $0x38;
	[tilespmem:$0x12800] =	vst v63  }
0x1a1: {  	p0 =	sne.s32 s19, $0x64;
	s25 =	sadd.s32 $0x108A8, s20;
	s26 =	sadd.s32 $0x50, s21  }
0x1a2: {  	[hbm4b:s26+s3] =	stream.linear.scatter [tilespmem:s25], [sflag:$0x3], $0x80, $0x38;
	[tilespmem:$0x12800] =	vst v63  }
.Ltmp7:
0x1a3: {  	_ = 	snop;
	(pc) =	sbr.rel @p0 .LBB2_2-.Ltmp7, $4  }
0x1a4: {  	s28 =	sadd.s32 $0x10930, s20;
	s29 =	sadd.s32 $0x60, s21  }
0x1a5: {  	[hbm4b:s29+s3] =	stream.linear.scatter [tilespmem:s28], [sflag:$0x3], $0x80, $0x38;
	[tilespmem:$0x12800] =	vst v63  }
0x1a6: {  	s30 =	sadd.s32 $0x109B8, s20;
	s31 =	sadd.s32 $0x70, s21  }
0x1a7: {  	[hbm4b:s31+s3] =	stream.linear.scatter [tilespmem:s30], [sflag:$0x3], $0x80, $0x38;
	[tilespmem:$0x12800] =	vst v63  }
0x1a8: {  	s18 =	sadd.s32 $0x1, s18  }
0x1a9: {  	_ =	swait.ge [sflag:s16], $0x2000;
	p0 =	sne.s32 s18, s7  }
.Ltmp8:
0x1aa: {  	[sflag:s16] =	ssyncset.done $0x0;
	(pc) =	sbr.rel @p0 .LBB2_1-.Ltmp8, $4  }
0x1ab: {  	[sflag:s16] =	ssyncadd.s32 $0xFFFFE000  }
0x1ac: {  	_ =	swait.ge [sflag:s16], $0x2000  }
0x1ad: {  	[sflag:s16] =	ssyncset.done $0x0  }
0x1ae: {  	[sflag:s16] =	ssyncadd.s32 $0xFFFFE000  }
0x1af: {  	_ =	sfence.sel $0x180000  }
0x1b0: {  	[bflag:$0x0] =	sbarrier.arrive $0xFFFF  }
0x1b1: {  	p0 =	sne.s32 s1, $0x0;
	_ =	strace $0x90000047  }
0x1b2: {  	s0 =	sadd.s32 @!p0 $0x100000, s0;
	[bflag:$0x2] =	sbarrier.arrive $0xFFFF  }
0x1b3: {  	[sflag:s0] =	ssyncadd.tile.s32 @!p0 $0x1;
	_ =	shalt  }
.Lfunc_end2:
_tile_overlayer_lowered:
.L_overlay_start_2:
0x1b4: {  	(tag) =	ssettag $0x2  }
0x1b5: {  	s0 =	rddreg [dreg:$0x0];
	s2 =	stileid.u32  }
0x1b6: {  	s1 =	rddreg [dreg:$0x1];
	p0 =	sne.s32 s2, $0x0  }
0x1b7: {  	s3 =	rddreg [dreg:$0x2];
	[bflag:$0x3] =	sbarrier.arrive $0xFFFF;
	s2 =	simm.s32 @!p0 $0x1C04  }
0x1b8: {  	[timem:s3], [sflag:s2] =	dma.local @!p0 [hbm:s0], s1  }
0x1b9: {  	s0 =	simm.s32 @!p0 $0x4  }
0x1ba: {  	_ =	swait.ge @!p0 [sflag:s0], s1  }
0x1bb: {  	s1 =	ssub.s32 @!p0 $0x0, s1;
	[sflag:s0] =	ssyncset.done @!p0 $0x0  }
0x1bc: {  	[sflag:s0] =	ssyncadd.s32 @!p0 s1  }
0x1bd: {  	[bflag:$0x3] =	sbarrier.arrive $0xFFFF  }
0x1be: {  	_ =	shalt  }

</sc_bundles>
